<compile_context>
chip_gen: v7x
topology: tpu7x:2x2x1
jax: 0.10.2.dev20260603
libtpu: 0.0.44.dev20260713+nightly
codegen_flags: <defaults>
</compile_context>

<pallas_src>
import functools

import jax
import jax.numpy as jnp
from jax import lax
from jax.experimental import pallas as pl
from jax.experimental.pallas import tpu as pltpu
from jax.experimental.pallas import tpu_sc as plsc

VOCAB = 1000000
EMB = 64
FVOCAB = 100000
FEMB = 16
B = 4096
L = 50

NC = 2
NS = 16
NW = NC * NS
N = B * L
N_PER_W = N // NW
CHUNK = 128
NCHUNK = N_PER_W // CHUNK
OUT_D = EMB + 2 * FEMB

def _sc_gather_concat():
    mesh = plsc.VectorSubcoreMesh(core_axis_name="c", subcore_axis_name="s")

    @functools.partial(
        pl.kernel,
        out_type=jax.ShapeDtypeStruct((N, OUT_D), jnp.float32),
        mesh=mesh,
        compiler_params=pltpu.CompilerParams(use_tc_tiling_on_sc=False),
        scratch_types=[
            pltpu.VMEM((NCHUNK, CHUNK), jnp.int32),
            pltpu.VMEM((NCHUNK, CHUNK), jnp.int32),
            pltpu.VMEM((NCHUNK, CHUNK), jnp.int32),
            pltpu.VMEM((2, CHUNK, EMB), jnp.float32),
            pltpu.VMEM((2, CHUNK, FEMB), jnp.float32),
            pltpu.VMEM((2, CHUNK, FEMB), jnp.float32),
            pltpu.SemaphoreType.DMA,
            pltpu.SemaphoreType.DMA,
            pltpu.SemaphoreType.DMA,
            pltpu.SemaphoreType.DMA,
            pltpu.SemaphoreType.DMA,
            pltpu.SemaphoreType.DMA,
        ],
    )
    def k(widx_hbm, f0idx_hbm, f1idx_hbm, wtab_hbm, f0tab_hbm, f1tab_hbm,
          out_hbm, widx_v, f0idx_v, f1idx_v, wrows, f0rows, f1rows,
          sem_gw, sem_g0, sem_g1, sem_ww, sem_w0, sem_w1):
        wid = lax.axis_index("s") * NC + lax.axis_index("c")
        base = wid * N_PER_W
        pltpu.sync_copy(widx_hbm.at[wid], widx_v)
        pltpu.sync_copy(f0idx_hbm.at[wid], f0idx_v)
        pltpu.sync_copy(f1idx_hbm.at[wid], f1idx_v)

        def gathers(j, s):
            pltpu.async_copy(wtab_hbm.at[widx_v.at[j]], wrows.at[s], sem_gw)
            pltpu.async_copy(f0tab_hbm.at[f0idx_v.at[j]], f0rows.at[s], sem_g0)
            pltpu.async_copy(f1tab_hbm.at[f1idx_v.at[j]], f1rows.at[s], sem_g1)

        def out_slices(j):
            row0 = base + j * CHUNK
            return (out_hbm.at[pl.ds(row0, CHUNK), pl.ds(0, EMB)],
                    out_hbm.at[pl.ds(row0, CHUNK), pl.ds(EMB, FEMB)],
                    out_hbm.at[pl.ds(row0, CHUNK), pl.ds(EMB + FEMB, FEMB)])

        def wait_writes(j, s):
            ow, o0, o1 = out_slices(j)
            pltpu.make_async_copy(wrows.at[s], ow, sem_ww).wait()
            pltpu.make_async_copy(f0rows.at[s], o0, sem_w0).wait()
            pltpu.make_async_copy(f1rows.at[s], o1, sem_w1).wait()

        gathers(0, 0)

        def step(j, carry):
            s = lax.rem(j, 2)
            pl.when(j >= 1)(lambda: wait_writes(j - 1, 1 - s))
            pl.when(j + 1 < NCHUNK)(lambda: gathers(j + 1, 1 - s))
            pltpu.make_async_copy(wtab_hbm.at[widx_v.at[j]], wrows.at[s], sem_gw).wait()
            pltpu.make_async_copy(f0tab_hbm.at[f0idx_v.at[j]], f0rows.at[s], sem_g0).wait()
            pltpu.make_async_copy(f1tab_hbm.at[f1idx_v.at[j]], f1rows.at[s], sem_g1).wait()
            ow, o0, o1 = out_slices(j)
            pltpu.async_copy(wrows.at[s], ow, sem_ww)
            pltpu.async_copy(f0rows.at[s], o0, sem_w0)
            pltpu.async_copy(f1rows.at[s], o1, sem_w1)
            return carry

        lax.fori_loop(0, NCHUNK, step, 0)
        wait_writes(NCHUNK - 1, (NCHUNK - 1) % 2)

    return k


_GATHER = _sc_gather_concat()


def kernel(word_inputs, feature_inputs_0, feature_inputs_1, word_seq_lengths,
           char_inputs, char_seq_lengths, char_seq_recover,
           word_table, feat_table_0, feat_table_1):
    widx = jnp.reshape(word_inputs.astype(jnp.int32), (NW, NCHUNK, CHUNK))
    f0idx = jnp.reshape(feature_inputs_0.astype(jnp.int32), (NW, NCHUNK, CHUNK))
    f1idx = jnp.reshape(feature_inputs_1.astype(jnp.int32), (NW, NCHUNK, CHUNK))
    out = _GATHER(widx, f0idx, f1idx, word_table, feat_table_0, feat_table_1)
    return jnp.reshape(out, (B, L, OUT_D))

# --- scband reference (transcript-rebuilt; emitter-appended) ---
"""Pipeline reference for scband-word-rep-46875273069296 (READ-ONLY COPY).

The authoritative reference and input builder live on the scoring server;
editing this copy changes nothing except your own understanding.
"""

import jax, jax.numpy as jnp
import numpy as np

VOCAB = 1000000
EMB = 64
FVOCAB = 100000
FEMB = 16
B = 4096
L = 50


def setup_inputs(seed: int = 0) -> dict:
    key = jax.random.key(seed)
    ks = jax.random.split(key, 9)
    scale_w = float(np.sqrt(3.0 / EMB))
    scale_f = float(np.sqrt(3.0 / FEMB))
    return {
        "word_inputs": jax.random.randint(ks[0], (B, L), 0, VOCAB),
        "feature_inputs_0": jax.random.randint(ks[1], (B, L), 0, FVOCAB),
        "feature_inputs_1": jax.random.randint(ks[2], (B, L), 0, FVOCAB),
        "word_seq_lengths": jax.random.randint(ks[3], (B,), 1, L + 1),
        "char_inputs": jnp.zeros((1, 1), dtype=jnp.int32),
        "char_seq_lengths": jnp.ones((1,), dtype=jnp.int32),
        "char_seq_recover": jnp.zeros((1,), dtype=jnp.int32),
        "word_table": jax.random.uniform(ks[4], (VOCAB, EMB), minval=-scale_w, maxval=scale_w, dtype=jnp.float32),
        "feat_table_0": jax.random.uniform(ks[5], (FVOCAB, FEMB), minval=-scale_f, maxval=scale_f, dtype=jnp.float32),
        "feat_table_1": jax.random.uniform(ks[6], (FVOCAB, FEMB), minval=-scale_f, maxval=scale_f, dtype=jnp.float32),
    }


def reference(word_inputs, feature_inputs_0, feature_inputs_1, word_seq_lengths,
              char_inputs, char_seq_lengths, char_seq_recover,
              word_table, feat_table_0, feat_table_1):
    # use_char=False, sentence_classification=False -> word + feature embeddings, concat on last dim
    word_embs = jnp.take(word_table, word_inputs, axis=0)          # [B, L, EMB]
    f0 = jnp.take(feat_table_0, feature_inputs_0, axis=0)          # [B, L, FEMB]
    f1 = jnp.take(feat_table_1, feature_inputs_1, axis=0)          # [B, L, FEMB]
    word_represent = jnp.concatenate([word_embs, f0, f1], axis=2)  # [B, L, EMB+2*FEMB]
    # dropout is identity in eval mode
    return word_represent

if __name__ == "__main__":
    import jax
    _d = setup_inputs()
    print(jax.jit(kernel)(*tuple(_d.values())))

</pallas_src>

<mosaic_0001>
#map = affine_map<(d0, d1) -> (0, 0, 0)>
#map1 = affine_map<(d0, d1) -> (0, 0)>
module attributes {stable_mosaic.version = 14 : i64} {
  func.func @k(%arg0: i32, %arg1: i32, %arg2: memref<32x50x128xi32, #tpu.memory_space<hbm>>, %arg3: memref<32x50x128xi32, #tpu.memory_space<hbm>>, %arg4: memref<32x50x128xi32, #tpu.memory_space<hbm>>, %arg5: memref<1000000x64xf32, #tpu.memory_space<hbm>>, %arg6: memref<100000x16xf32, #tpu.memory_space<hbm>>, %arg7: memref<100000x16xf32, #tpu.memory_space<hbm>>, %arg8: memref<204800x96xf32, #tpu.memory_space<hbm>>, %arg9: memref<50x128xi32, #tpu.memory_space<vmem>>, %arg10: memref<50x128xi32, #tpu.memory_space<vmem>>, %arg11: memref<50x128xi32, #tpu.memory_space<vmem>>, %arg12: memref<2x128x64xf32, #tpu.memory_space<vmem>>, %arg13: memref<2x128x16xf32, #tpu.memory_space<vmem>>, %arg14: memref<2x128x16xf32, #tpu.memory_space<vmem>>, %arg15: memref<!tpu.dma_semaphore, #tpu.memory_space<semaphore_mem>>, %arg16: memref<!tpu.dma_semaphore, #tpu.memory_space<semaphore_mem>>, %arg17: memref<!tpu.dma_semaphore, #tpu.memory_space<semaphore_mem>>, %arg18: memref<!tpu.dma_semaphore, #tpu.memory_space<semaphore_mem>>, %arg19: memref<!tpu.dma_semaphore, #tpu.memory_space<semaphore_mem>>, %arg20: memref<!tpu.dma_semaphore, #tpu.memory_space<semaphore_mem>>) attributes {dimension_semantics = [#tpu.dimension_semantics<core_parallel>, #tpu.dimension_semantics<subcore_parallel>], iteration_bounds = array<i64: 2, 16>, scalar_prefetch = 0 : i64, scratch_operands = 12 : i64, tpu.core_type = #tpu.core_type<sc_vector_subcore>, window_params = [{transform_indices = #map}, {transform_indices = #map}, {transform_indices = #map}, {transform_indices = #map1}, {transform_indices = #map1}, {transform_indices = #map1}, {transform_indices = #map1}]} {
    %mul3A = arith.constant 2 : i32
    %mul3A_0 = arith.muli %arg1, %mul3A : i32
    %add3A = arith.addi %mul3A_0, %arg0 : i32
    %mul3A_1 = arith.constant 6400 : i32
    %mul3A_2 = arith.muli %add3A, %mul3A_1 : i32
    "tpu.region"() ({
      %run_scoped3A = tpu.sem_alloc : memref<!tpu.dma_semaphore, #tpu.memory_space<semaphore_mem>>
      %dma_start3A_83 = arith.constant 0 : i32
      %dma_start3A_84 = arith.constant 0 : i32
      %dma_start3A_85 = tpu.memref_slice %arg2[%add3A, %dma_start3A_83, %dma_start3A_84] : memref<32x50x128xi32, #tpu.memory_space<hbm>> -> memref<1x50x128xi32, #tpu.memory_space<hbm>>
      %dma_start3A_86 = tpu.memref_squeeze %dma_start3A_85 : memref<1x50x128xi32, #tpu.memory_space<hbm>> -> memref<50x128xi32, #tpu.memory_space<hbm>>
      %dma_start3A_87 = arith.constant 0 : i32
      %dma_start3A_88 = arith.constant 0 : i32
      %dma_start3A_89 = tpu.memref_slice %arg2[%add3A, %dma_start3A_87, %dma_start3A_88] : memref<32x50x128xi32, #tpu.memory_space<hbm>> -> memref<1x50x128xi32, #tpu.memory_space<hbm>>
      %dma_start3A_90 = tpu.memref_squeeze %dma_start3A_89 : memref<1x50x128xi32, #tpu.memory_space<hbm>> -> memref<50x128xi32, #tpu.memory_space<hbm>>
      tpu.enqueue_dma source(%dma_start3A_90 : memref<50x128xi32, #tpu.memory_space<hbm>>) target(%arg9 : memref<50x128xi32, #tpu.memory_space<vmem>>) target_semaphore(%run_scoped3A : memref<!tpu.dma_semaphore, #tpu.memory_space<semaphore_mem>>)
      %dma_wait3A_91 = arith.constant 0 : i32
      %dma_wait3A_92 = arith.constant 0 : i32
      %dma_wait3A_93 = tpu.memref_slice %arg2[%add3A, %dma_wait3A_91, %dma_wait3A_92] : memref<32x50x128xi32, #tpu.memory_space<hbm>> -> memref<1x50x128xi32, #tpu.memory_space<hbm>>
      %dma_wait3A_94 = tpu.memref_squeeze %dma_wait3A_93 : memref<1x50x128xi32, #tpu.memory_space<hbm>> -> memref<50x128xi32, #tpu.memory_space<hbm>>
      %dma_wait3A_95 = arith.constant 0 : i32
      %dma_wait3A_96 = arith.constant 0 : i32
      %dma_wait3A_97 = tpu.memref_slice %arg2[%add3A, %dma_wait3A_95, %dma_wait3A_96] : memref<32x50x128xi32, #tpu.memory_space<hbm>> -> memref<1x50x128xi32, #tpu.memory_space<hbm>>
      %dma_wait3A_98 = tpu.memref_squeeze %dma_wait3A_97 : memref<1x50x128xi32, #tpu.memory_space<hbm>> -> memref<50x128xi32, #tpu.memory_space<hbm>>
      tpu.wait_dma2 semaphore(%run_scoped3A : memref<!tpu.dma_semaphore, #tpu.memory_space<semaphore_mem>>) src(%dma_wait3A_98 : memref<50x128xi32, #tpu.memory_space<hbm>>) dst(%arg9 : memref<50x128xi32, #tpu.memory_space<vmem>>)
      tpu.yield
    }) : () -> ()
    "tpu.region"() ({
      %run_scoped3A = tpu.sem_alloc : memref<!tpu.dma_semaphore, #tpu.memory_space<semaphore_mem>>
      %dma_start3A_83 = arith.constant 0 : i32
      %dma_start3A_84 = arith.constant 0 : i32
      %dma_start3A_85 = tpu.memref_slice %arg3[%add3A, %dma_start3A_83, %dma_start3A_84] : memref<32x50x128xi32, #tpu.memory_space<hbm>> -> memref<1x50x128xi32, #tpu.memory_space<hbm>>
      %dma_start3A_86 = tpu.memref_squeeze %dma_start3A_85 : memref<1x50x128xi32, #tpu.memory_space<hbm>> -> memref<50x128xi32, #tpu.memory_space<hbm>>
      %dma_start3A_87 = arith.constant 0 : i32
      %dma_start3A_88 = arith.constant 0 : i32
      %dma_start3A_89 = tpu.memref_slice %arg3[%add3A, %dma_start3A_87, %dma_start3A_88] : memref<32x50x128xi32, #tpu.memory_space<hbm>> -> memref<1x50x128xi32, #tpu.memory_space<hbm>>
      %dma_start3A_90 = tpu.memref_squeeze %dma_start3A_89 : memref<1x50x128xi32, #tpu.memory_space<hbm>> -> memref<50x128xi32, #tpu.memory_space<hbm>>
      tpu.enqueue_dma source(%dma_start3A_90 : memref<50x128xi32, #tpu.memory_space<hbm>>) target(%arg10 : memref<50x128xi32, #tpu.memory_space<vmem>>) target_semaphore(%run_scoped3A : memref<!tpu.dma_semaphore, #tpu.memory_space<semaphore_mem>>)
      %dma_wait3A_91 = arith.constant 0 : i32
      %dma_wait3A_92 = arith.constant 0 : i32
      %dma_wait3A_93 = tpu.memref_slice %arg3[%add3A, %dma_wait3A_91, %dma_wait3A_92] : memref<32x50x128xi32, #tpu.memory_space<hbm>> -> memref<1x50x128xi32, #tpu.memory_space<hbm>>
      %dma_wait3A_94 = tpu.memref_squeeze %dma_wait3A_93 : memref<1x50x128xi32, #tpu.memory_space<hbm>> -> memref<50x128xi32, #tpu.memory_space<hbm>>
      %dma_wait3A_95 = arith.constant 0 : i32
      %dma_wait3A_96 = arith.constant 0 : i32
      %dma_wait3A_97 = tpu.memref_slice %arg3[%add3A, %dma_wait3A_95, %dma_wait3A_96] : memref<32x50x128xi32, #tpu.memory_space<hbm>> -> memref<1x50x128xi32, #tpu.memory_space<hbm>>
      %dma_wait3A_98 = tpu.memref_squeeze %dma_wait3A_97 : memref<1x50x128xi32, #tpu.memory_space<hbm>> -> memref<50x128xi32, #tpu.memory_space<hbm>>
      tpu.wait_dma2 semaphore(%run_scoped3A : memref<!tpu.dma_semaphore, #tpu.memory_space<semaphore_mem>>) src(%dma_wait3A_98 : memref<50x128xi32, #tpu.memory_space<hbm>>) dst(%arg10 : memref<50x128xi32, #tpu.memory_space<vmem>>)
      tpu.yield
    }) : () -> ()
    "tpu.region"() ({
      %run_scoped3A = tpu.sem_alloc : memref<!tpu.dma_semaphore, #tpu.memory_space<semaphore_mem>>
      %dma_start3A_83 = arith.constant 0 : i32
      %dma_start3A_84 = arith.constant 0 : i32
      %dma_start3A_85 = tpu.memref_slice %arg4[%add3A, %dma_start3A_83, %dma_start3A_84] : memref<32x50x128xi32, #tpu.memory_space<hbm>> -> memref<1x50x128xi32, #tpu.memory_space<hbm>>
      %dma_start3A_86 = tpu.memref_squeeze %dma_start3A_85 : memref<1x50x128xi32, #tpu.memory_space<hbm>> -> memref<50x128xi32, #tpu.memory_space<hbm>>
      %dma_start3A_87 = arith.constant 0 : i32
      %dma_start3A_88 = arith.constant 0 : i32
      %dma_start3A_89 = tpu.memref_slice %arg4[%add3A, %dma_start3A_87, %dma_start3A_88] : memref<32x50x128xi32, #tpu.memory_space<hbm>> -> memref<1x50x128xi32, #tpu.memory_space<hbm>>
      %dma_start3A_90 = tpu.memref_squeeze %dma_start3A_89 : memref<1x50x128xi32, #tpu.memory_space<hbm>> -> memref<50x128xi32, #tpu.memory_space<hbm>>
      tpu.enqueue_dma source(%dma_start3A_90 : memref<50x128xi32, #tpu.memory_space<hbm>>) target(%arg11 : memref<50x128xi32, #tpu.memory_space<vmem>>) target_semaphore(%run_scoped3A : memref<!tpu.dma_semaphore, #tpu.memory_space<semaphore_mem>>)
      %dma_wait3A_91 = arith.constant 0 : i32
      %dma_wait3A_92 = arith.constant 0 : i32
      %dma_wait3A_93 = tpu.memref_slice %arg4[%add3A, %dma_wait3A_91, %dma_wait3A_92] : memref<32x50x128xi32, #tpu.memory_space<hbm>> -> memref<1x50x128xi32, #tpu.memory_space<hbm>>
      %dma_wait3A_94 = tpu.memref_squeeze %dma_wait3A_93 : memref<1x50x128xi32, #tpu.memory_space<hbm>> -> memref<50x128xi32, #tpu.memory_space<hbm>>
      %dma_wait3A_95 = arith.constant 0 : i32
      %dma_wait3A_96 = arith.constant 0 : i32
      %dma_wait3A_97 = tpu.memref_slice %arg4[%add3A, %dma_wait3A_95, %dma_wait3A_96] : memref<32x50x128xi32, #tpu.memory_space<hbm>> -> memref<1x50x128xi32, #tpu.memory_space<hbm>>
      %dma_wait3A_98 = tpu.memref_squeeze %dma_wait3A_97 : memref<1x50x128xi32, #tpu.memory_space<hbm>> -> memref<50x128xi32, #tpu.memory_space<hbm>>
      tpu.wait_dma2 semaphore(%run_scoped3A : memref<!tpu.dma_semaphore, #tpu.memory_space<semaphore_mem>>) src(%dma_wait3A_98 : memref<50x128xi32, #tpu.memory_space<hbm>>) dst(%arg11 : memref<50x128xi32, #tpu.memory_space<vmem>>)
      tpu.yield
    }) : () -> ()
    %dma_start3A = arith.constant 0 : i32
    %dma_start3A_3 = arith.constant 0 : i32
    %dma_start3A_4 = arith.constant 0 : i32
    %dma_start3A_5 = arith.constant 0 : i32
    %dma_start3A_6 = tpu.memref_slice %arg12[%dma_start3A_3, %dma_start3A_4, %dma_start3A_5] : memref<2x128x64xf32, #tpu.memory_space<vmem>> -> memref<1x128x64xf32, #tpu.memory_space<vmem>>
    %dma_start3A_7 = tpu.memref_squeeze %dma_start3A_6 : memref<1x128x64xf32, #tpu.memory_space<vmem>> -> memref<128x64xf32, #tpu.memory_space<vmem>>
    %dma_start3A_8 = arith.constant 0 : i32
    %dma_start3A_9 = tpu.memref_slice %arg9[%dma_start3A, %dma_start3A_8] : memref<50x128xi32, #tpu.memory_space<vmem>> -> memref<1x128xi32, #tpu.memory_space<vmem>>
    %dma_start3A_10 = tpu.memref_squeeze %dma_start3A_9 : memref<1x128xi32, #tpu.memory_space<vmem>> -> memref<128xi32, #tpu.memory_space<vmem>>
    %dma_start3A_11 = arith.constant 0 : i32
    %dma_start3A_12 = arith.constant 0 : i32
    %dma_start3A_13 = tpu.memref_slice %arg5[%dma_start3A_11, %dma_start3A_12] : memref<1000000x64xf32, #tpu.memory_space<hbm>> -> memref<1000000x64xf32, #tpu.memory_space<hbm>>
    tpu.enqueue_indirect_dma source(%dma_start3A_13 : memref<1000000x64xf32, #tpu.memory_space<hbm>>) target(%dma_start3A_7 : memref<128x64xf32, #tpu.memory_space<vmem>>) offsets(%dma_start3A_10 : memref<128xi32, #tpu.memory_space<vmem>>) semaphore(%arg15 : memref<!tpu.dma_semaphore, #tpu.memory_space<semaphore_mem>>)
    %dma_start3A_14 = arith.constant 0 : i32
    %dma_start3A_15 = arith.constant 0 : i32
    %dma_start3A_16 = arith.constant 0 : i32
    %dma_start3A_17 = arith.constant 0 : i32
    %dma_start3A_18 = tpu.memref_slice %arg13[%dma_start3A_15, %dma_start3A_16, %dma_start3A_17] : memref<2x128x16xf32, #tpu.memory_space<vmem>> -> memref<1x128x16xf32, #tpu.memory_space<vmem>>
    %dma_start3A_19 = tpu.memref_squeeze %dma_start3A_18 : memref<1x128x16xf32, #tpu.memory_space<vmem>> -> memref<128x16xf32, #tpu.memory_space<vmem>>
    %dma_start3A_20 = arith.constant 0 : i32
    %dma_start3A_21 = tpu.memref_slice %arg10[%dma_start3A_14, %dma_start3A_20] : memref<50x128xi32, #tpu.memory_space<vmem>> -> memref<1x128xi32, #tpu.memory_space<vmem>>
    %dma_start3A_22 = tpu.memref_squeeze %dma_start3A_21 : memref<1x128xi32, #tpu.memory_space<vmem>> -> memref<128xi32, #tpu.memory_space<vmem>>
    %dma_start3A_23 = arith.constant 0 : i32
    %dma_start3A_24 = arith.constant 0 : i32
    %dma_start3A_25 = tpu.memref_slice %arg6[%dma_start3A_23, %dma_start3A_24] : memref<100000x16xf32, #tpu.memory_space<hbm>> -> memref<100000x16xf32, #tpu.memory_space<hbm>>
    tpu.enqueue_indirect_dma source(%dma_start3A_25 : memref<100000x16xf32, #tpu.memory_space<hbm>>) target(%dma_start3A_19 : memref<128x16xf32, #tpu.memory_space<vmem>>) offsets(%dma_start3A_22 : memref<128xi32, #tpu.memory_space<vmem>>) semaphore(%arg16 : memref<!tpu.dma_semaphore, #tpu.memory_space<semaphore_mem>>)
    %dma_start3A_26 = arith.constant 0 : i32
    %dma_start3A_27 = arith.constant 0 : i32
    %dma_start3A_28 = arith.constant 0 : i32
    %dma_start3A_29 = arith.constant 0 : i32
    %dma_start3A_30 = tpu.memref_slice %arg14[%dma_start3A_27, %dma_start3A_28, %dma_start3A_29] : memref<2x128x16xf32, #tpu.memory_space<vmem>> -> memref<1x128x16xf32, #tpu.memory_space<vmem>>
    %dma_start3A_31 = tpu.memref_squeeze %dma_start3A_30 : memref<1x128x16xf32, #tpu.memory_space<vmem>> -> memref<128x16xf32, #tpu.memory_space<vmem>>
    %dma_start3A_32 = arith.constant 0 : i32
    %dma_start3A_33 = tpu.memref_slice %arg11[%dma_start3A_26, %dma_start3A_32] : memref<50x128xi32, #tpu.memory_space<vmem>> -> memref<1x128xi32, #tpu.memory_space<vmem>>
    %dma_start3A_34 = tpu.memref_squeeze %dma_start3A_33 : memref<1x128xi32, #tpu.memory_space<vmem>> -> memref<128xi32, #tpu.memory_space<vmem>>
    %dma_start3A_35 = arith.constant 0 : i32
    %dma_start3A_36 = arith.constant 0 : i32
    %dma_start3A_37 = tpu.memref_slice %arg7[%dma_start3A_35, %dma_start3A_36] : memref<100000x16xf32, #tpu.memory_space<hbm>> -> memref<100000x16xf32, #tpu.memory_space<hbm>>
    tpu.enqueue_indirect_dma source(%dma_start3A_37 : memref<100000x16xf32, #tpu.memory_space<hbm>>) target(%dma_start3A_31 : memref<128x16xf32, #tpu.memory_space<vmem>>) offsets(%dma_start3A_34 : memref<128xi32, #tpu.memory_space<vmem>>) semaphore(%arg17 : memref<!tpu.dma_semaphore, #tpu.memory_space<semaphore_mem>>)
    %scan3A = arith.constant 0 : i32
    %scan3A_38 = arith.constant 0 : i32
    %scan3A_39 = arith.constant 50 : i32
    %scan3A_40 = arith.addi %scan3A_38, %scan3A_39 : i32
    %scan3A_41 = arith.constant 1 : i32
    scf.for %scan3A_83 = %scan3A_38 to %scan3A_40 step %scan3A_41  : i32 {
      %rem3A = arith.constant 2 : i32
      %rem3A_84 = arith.remsi %scan3A_83, %rem3A : i32
      %ge3A = arith.constant 1 : i32
      %ge3A_85 = arith.cmpi sge, %scan3A_83, %ge3A : i32
      %convert_element_type3A = arith.extui %ge3A_85 : i1 to i32
      %cond3A = arith.constant 0 : i32
      %cond3A_86 = arith.cmpi ne, %convert_element_type3A, %cond3A : i32
      scf.if %cond3A_86 {
        %sub3A = arith.constant 1 : i32
        %sub3A_162 = arith.subi %scan3A_83, %sub3A : i32
        %sub3A_163 = arith.constant 1 : i32
        %sub3A_164 = arith.subi %sub3A_163, %rem3A_84 : i32
        %mul3A_165 = arith.constant 128 : i32
        %mul3A_166 = arith.muli %sub3A_162, %mul3A_165 : i32
        %add3A_167 = arith.addi %mul3A_2, %mul3A_166 : i32
        %dma_wait3A_168 = arith.constant 0 : i32
        %dma_wait3A_169 = arith.constant 0 : i32
        %dma_wait3A_170 = tpu.memref_slice %arg12[%sub3A_164, %dma_wait3A_168, %dma_wait3A_169] : memref<2x128x64xf32, #tpu.memory_space<vmem>> -> memref<1x128x64xf32, #tpu.memory_space<vmem>>
        %dma_wait3A_171 = tpu.memref_squeeze %dma_wait3A_170 : memref<1x128x64xf32, #tpu.memory_space<vmem>> -> memref<128x64xf32, #tpu.memory_space<vmem>>
        %dma_wait3A_172 = arith.constant 0 : i32
        %dma_wait3A_173 = tpu.memref_slice %arg8[%add3A_167, %dma_wait3A_172] : memref<204800x96xf32, #tpu.memory_space<hbm>> -> memref<128x64xf32, #tpu.memory_space<hbm>>
        %dma_wait3A_174 = arith.constant 0 : i32
        %dma_wait3A_175 = tpu.memref_slice %arg8[%add3A_167, %dma_wait3A_174] : memref<204800x96xf32, #tpu.memory_space<hbm>> -> memref<128x64xf32, #tpu.memory_space<hbm>>
        %dma_wait3A_176 = arith.constant 0 : i32
        %dma_wait3A_177 = arith.constant 0 : i32
        %dma_wait3A_178 = tpu.memref_slice %arg12[%sub3A_164, %dma_wait3A_176, %dma_wait3A_177] : memref<2x128x64xf32, #tpu.memory_space<vmem>> -> memref<1x128x64xf32, #tpu.memory_space<vmem>>
        %dma_wait3A_179 = tpu.memref_squeeze %dma_wait3A_178 : memref<1x128x64xf32, #tpu.memory_space<vmem>> -> memref<128x64xf32, #tpu.memory_space<vmem>>
        tpu.wait_dma2 semaphore(%arg18 : memref<!tpu.dma_semaphore, #tpu.memory_space<semaphore_mem>>) src(%dma_wait3A_179 : memref<128x64xf32, #tpu.memory_space<vmem>>) dst(%dma_wait3A_175 : memref<128x64xf32, #tpu.memory_space<hbm>>)
        %dma_wait3A_180 = arith.constant 0 : i32
        %dma_wait3A_181 = arith.constant 0 : i32
        %dma_wait3A_182 = tpu.memref_slice %arg13[%sub3A_164, %dma_wait3A_180, %dma_wait3A_181] : memref<2x128x16xf32, #tpu.memory_space<vmem>> -> memref<1x128x16xf32, #tpu.memory_space<vmem>>
        %dma_wait3A_183 = tpu.memref_squeeze %dma_wait3A_182 : memref<1x128x16xf32, #tpu.memory_space<vmem>> -> memref<128x16xf32, #tpu.memory_space<vmem>>
        %dma_wait3A_184 = arith.constant 64 : i32
        %dma_wait3A_185 = tpu.memref_slice %arg8[%add3A_167, %dma_wait3A_184] : memref<204800x96xf32, #tpu.memory_space<hbm>> -> memref<128x16xf32, #tpu.memory_space<hbm>>
        %dma_wait3A_186 = arith.constant 64 : i32
        %dma_wait3A_187 = tpu.memref_slice %arg8[%add3A_167, %dma_wait3A_186] : memref<204800x96xf32, #tpu.memory_space<hbm>> -> memref<128x16xf32, #tpu.memory_space<hbm>>
        %dma_wait3A_188 = arith.constant 0 : i32
        %dma_wait3A_189 = arith.constant 0 : i32
        %dma_wait3A_190 = tpu.memref_slice %arg13[%sub3A_164, %dma_wait3A_188, %dma_wait3A_189] : memref<2x128x16xf32, #tpu.memory_space<vmem>> -> memref<1x128x16xf32, #tpu.memory_space<vmem>>
        %dma_wait3A_191 = tpu.memref_squeeze %dma_wait3A_190 : memref<1x128x16xf32, #tpu.memory_space<vmem>> -> memref<128x16xf32, #tpu.memory_space<vmem>>
        tpu.wait_dma2 semaphore(%arg19 : memref<!tpu.dma_semaphore, #tpu.memory_space<semaphore_mem>>) src(%dma_wait3A_191 : memref<128x16xf32, #tpu.memory_space<vmem>>) dst(%dma_wait3A_187 : memref<128x16xf32, #tpu.memory_space<hbm>>)
        %dma_wait3A_192 = arith.constant 0 : i32
        %dma_wait3A_193 = arith.constant 0 : i32
        %dma_wait3A_194 = tpu.memref_slice %arg14[%sub3A_164, %dma_wait3A_192, %dma_wait3A_193] : memref<2x128x16xf32, #tpu.memory_space<vmem>> -> memref<1x128x16xf32, #tpu.memory_space<vmem>>
        %dma_wait3A_195 = tpu.memref_squeeze %dma_wait3A_194 : memref<1x128x16xf32, #tpu.memory_space<vmem>> -> memref<128x16xf32, #tpu.memory_space<vmem>>
        %dma_wait3A_196 = arith.constant 80 : i32
        %dma_wait3A_197 = tpu.memref_slice %arg8[%add3A_167, %dma_wait3A_196] : memref<204800x96xf32, #tpu.memory_space<hbm>> -> memref<128x16xf32, #tpu.memory_space<hbm>>
        %dma_wait3A_198 = arith.constant 80 : i32
        %dma_wait3A_199 = tpu.memref_slice %arg8[%add3A_167, %dma_wait3A_198] : memref<204800x96xf32, #tpu.memory_space<hbm>> -> memref<128x16xf32, #tpu.memory_space<hbm>>
        %dma_wait3A_200 = arith.constant 0 : i32
        %dma_wait3A_201 = arith.constant 0 : i32
        %dma_wait3A_202 = tpu.memref_slice %arg14[%sub3A_164, %dma_wait3A_200, %dma_wait3A_201] : memref<2x128x16xf32, #tpu.memory_space<vmem>> -> memref<1x128x16xf32, #tpu.memory_space<vmem>>
        %dma_wait3A_203 = tpu.memref_squeeze %dma_wait3A_202 : memref<1x128x16xf32, #tpu.memory_space<vmem>> -> memref<128x16xf32, #tpu.memory_space<vmem>>
        tpu.wait_dma2 semaphore(%arg20 : memref<!tpu.dma_semaphore, #tpu.memory_space<semaphore_mem>>) src(%dma_wait3A_203 : memref<128x16xf32, #tpu.memory_space<vmem>>) dst(%dma_wait3A_199 : memref<128x16xf32, #tpu.memory_space<hbm>>)
      } else {
      }
      %add3A_87 = arith.constant 1 : i32
      %add3A_88 = arith.addi %scan3A_83, %add3A_87 : i32
      %lt3A = arith.constant 50 : i32
      %lt3A_89 = arith.cmpi slt, %add3A_88, %lt3A : i32
      %convert_element_type3A_90 = arith.extui %lt3A_89 : i1 to i32
      %cond3A_91 = arith.constant 0 : i32
      %cond3A_92 = arith.cmpi ne, %convert_element_type3A_90, %cond3A_91 : i32
      scf.if %cond3A_92 {
        %add3A_162 = arith.constant 1 : i32
        %add3A_163 = arith.addi %scan3A_83, %add3A_162 : i32
        %sub3A = arith.constant 1 : i32
        %sub3A_164 = arith.subi %sub3A, %rem3A_84 : i32
        %dma_start3A_165 = arith.constant 0 : i32
        %dma_start3A_166 = arith.constant 0 : i32
        %dma_start3A_167 = tpu.memref_slice %arg12[%sub3A_164, %dma_start3A_165, %dma_start3A_166] : memref<2x128x64xf32, #tpu.memory_space<vmem>> -> memref<1x128x64xf32, #tpu.memory_space<vmem>>
        %dma_start3A_168 = tpu.memref_squeeze %dma_start3A_167 : memref<1x128x64xf32, #tpu.memory_space<vmem>> -> memref<128x64xf32, #tpu.memory_space<vmem>>
        %dma_start3A_169 = arith.constant 0 : i32
        %dma_start3A_170 = tpu.memref_slice %arg9[%add3A_163, %dma_start3A_169] : memref<50x128xi32, #tpu.memory_space<vmem>> -> memref<1x128xi32, #tpu.memory_space<vmem>>
        %dma_start3A_171 = tpu.memref_squeeze %dma_start3A_170 : memref<1x128xi32, #tpu.memory_space<vmem>> -> memref<128xi32, #tpu.memory_space<vmem>>
        %dma_start3A_172 = arith.constant 0 : i32
        %dma_start3A_173 = arith.constant 0 : i32
        %dma_start3A_174 = tpu.memref_slice %arg5[%dma_start3A_172, %dma_start3A_173] : memref<1000000x64xf32, #tpu.memory_space<hbm>> -> memref<1000000x64xf32, #tpu.memory_space<hbm>>
        tpu.enqueue_indirect_dma source(%dma_start3A_174 : memref<1000000x64xf32, #tpu.memory_space<hbm>>) target(%dma_start3A_168 : memref<128x64xf32, #tpu.memory_space<vmem>>) offsets(%dma_start3A_171 : memref<128xi32, #tpu.memory_space<vmem>>) semaphore(%arg15 : memref<!tpu.dma_semaphore, #tpu.memory_space<semaphore_mem>>)
        %dma_start3A_175 = arith.constant 0 : i32
        %dma_start3A_176 = arith.constant 0 : i32
        %dma_start3A_177 = tpu.memref_slice %arg13[%sub3A_164, %dma_start3A_175, %dma_start3A_176] : memref<2x128x16xf32, #tpu.memory_space<vmem>> -> memref<1x128x16xf32, #tpu.memory_space<vmem>>
        %dma_start3A_178 = tpu.memref_squeeze %dma_start3A_177 : memref<1x128x16xf32, #tpu.memory_space<vmem>> -> memref<128x16xf32, #tpu.memory_space<vmem>>
        %dma_start3A_179 = arith.constant 0 : i32
        %dma_start3A_180 = tpu.memref_slice %arg10[%add3A_163, %dma_start3A_179] : memref<50x128xi32, #tpu.memory_space<vmem>> -> memref<1x128xi32, #tpu.memory_space<vmem>>
        %dma_start3A_181 = tpu.memref_squeeze %dma_start3A_180 : memref<1x128xi32, #tpu.memory_space<vmem>> -> memref<128xi32, #tpu.memory_space<vmem>>
        %dma_start3A_182 = arith.constant 0 : i32
        %dma_start3A_183 = arith.constant 0 : i32
        %dma_start3A_184 = tpu.memref_slice %arg6[%dma_start3A_182, %dma_start3A_183] : memref<100000x16xf32, #tpu.memory_space<hbm>> -> memref<100000x16xf32, #tpu.memory_space<hbm>>
        tpu.enqueue_indirect_dma source(%dma_start3A_184 : memref<100000x16xf32, #tpu.memory_space<hbm>>) target(%dma_start3A_178 : memref<128x16xf32, #tpu.memory_space<vmem>>) offsets(%dma_start3A_181 : memref<128xi32, #tpu.memory_space<vmem>>) semaphore(%arg16 : memref<!tpu.dma_semaphore, #tpu.memory_space<semaphore_mem>>)
        %dma_start3A_185 = arith.constant 0 : i32
        %dma_start3A_186 = arith.constant 0 : i32
        %dma_start3A_187 = tpu.memref_slice %arg14[%sub3A_164, %dma_start3A_185, %dma_start3A_186] : memref<2x128x16xf32, #tpu.memory_space<vmem>> -> memref<1x128x16xf32, #tpu.memory_space<vmem>>
        %dma_start3A_188 = tpu.memref_squeeze %dma_start3A_187 : memref<1x128x16xf32, #tpu.memory_space<vmem>> -> memref<128x16xf32, #tpu.memory_space<vmem>>
        %dma_start3A_189 = arith.constant 0 : i32
        %dma_start3A_190 = tpu.memref_slice %arg11[%add3A_163, %dma_start3A_189] : memref<50x128xi32, #tpu.memory_space<vmem>> -> memref<1x128xi32, #tpu.memory_space<vmem>>
        %dma_start3A_191 = tpu.memref_squeeze %dma_start3A_190 : memref<1x128xi32, #tpu.memory_space<vmem>> -> memref<128xi32, #tpu.memory_space<vmem>>
        %dma_start3A_192 = arith.constant 0 : i32
        %dma_start3A_193 = arith.constant 0 : i32
        %dma_start3A_194 = tpu.memref_slice %arg7[%dma_start3A_192, %dma_start3A_193] : memref<100000x16xf32, #tpu.memory_space<hbm>> -> memref<100000x16xf32, #tpu.memory_space<hbm>>
        tpu.enqueue_indirect_dma source(%dma_start3A_194 : memref<100000x16xf32, #tpu.memory_space<hbm>>) target(%dma_start3A_188 : memref<128x16xf32, #tpu.memory_space<vmem>>) offsets(%dma_start3A_191 : memref<128xi32, #tpu.memory_space<vmem>>) semaphore(%arg17 : memref<!tpu.dma_semaphore, #tpu.memory_space<semaphore_mem>>)
      } else {
      }
      %dma_wait3A_93 = arith.constant 0 : i32
      %dma_wait3A_94 = arith.constant 0 : i32
      %dma_wait3A_95 = tpu.memref_slice %arg12[%rem3A_84, %dma_wait3A_93, %dma_wait3A_94] : memref<2x128x64xf32, #tpu.memory_space<vmem>> -> memref<1x128x64xf32, #tpu.memory_space<vmem>>
      %dma_wait3A_96 = tpu.memref_squeeze %dma_wait3A_95 : memref<1x128x64xf32, #tpu.memory_space<vmem>> -> memref<128x64xf32, #tpu.memory_space<vmem>>
      %dma_wait3A_97 = arith.constant 0 : i32
      %dma_wait3A_98 = tpu.memref_slice %arg9[%scan3A_83, %dma_wait3A_97] : memref<50x128xi32, #tpu.memory_space<vmem>> -> memref<1x128xi32, #tpu.memory_space<vmem>>
      %dma_wait3A_99 = tpu.memref_squeeze %dma_wait3A_98 : memref<1x128xi32, #tpu.memory_space<vmem>> -> memref<128xi32, #tpu.memory_space<vmem>>
      %dma_wait3A_100 = arith.constant 0 : i32
      %dma_wait3A_101 = arith.constant 0 : i32
      %dma_wait3A_102 = tpu.memref_slice %arg5[%dma_wait3A_100, %dma_wait3A_101] : memref<1000000x64xf32, #tpu.memory_space<hbm>> -> memref<1000000x64xf32, #tpu.memory_space<hbm>>
      tpu.wait_indirect_dma semaphore(%arg15 : memref<!tpu.dma_semaphore, #tpu.memory_space<semaphore_mem>>) src(%dma_wait3A_102 : memref<1000000x64xf32, #tpu.memory_space<hbm>>) dst(%dma_wait3A_96 : memref<128x64xf32, #tpu.memory_space<vmem>>)
      %dma_wait3A_103 = arith.constant 0 : i32
      %dma_wait3A_104 = arith.constant 0 : i32
      %dma_wait3A_105 = tpu.memref_slice %arg13[%rem3A_84, %dma_wait3A_103, %dma_wait3A_104] : memref<2x128x16xf32, #tpu.memory_space<vmem>> -> memref<1x128x16xf32, #tpu.memory_space<vmem>>
      %dma_wait3A_106 = tpu.memref_squeeze %dma_wait3A_105 : memref<1x128x16xf32, #tpu.memory_space<vmem>> -> memref<128x16xf32, #tpu.memory_space<vmem>>
      %dma_wait3A_107 = arith.constant 0 : i32
      %dma_wait3A_108 = tpu.memref_slice %arg10[%scan3A_83, %dma_wait3A_107] : memref<50x128xi32, #tpu.memory_space<vmem>> -> memref<1x128xi32, #tpu.memory_space<vmem>>
      %dma_wait3A_109 = tpu.memref_squeeze %dma_wait3A_108 : memref<1x128xi32, #tpu.memory_space<vmem>> -> memref<128xi32, #tpu.memory_space<vmem>>
      %dma_wait3A_110 = arith.constant 0 : i32
      %dma_wait3A_111 = arith.constant 0 : i32
      %dma_wait3A_112 = tpu.memref_slice %arg6[%dma_wait3A_110, %dma_wait3A_111] : memref<100000x16xf32, #tpu.memory_space<hbm>> -> memref<100000x16xf32, #tpu.memory_space<hbm>>
      tpu.wait_indirect_dma semaphore(%arg16 : memref<!tpu.dma_semaphore, #tpu.memory_space<semaphore_mem>>) src(%dma_wait3A_112 : memref<100000x16xf32, #tpu.memory_space<hbm>>) dst(%dma_wait3A_106 : memref<128x16xf32, #tpu.memory_space<vmem>>)
      %dma_wait3A_113 = arith.constant 0 : i32
      %dma_wait3A_114 = arith.constant 0 : i32
      %dma_wait3A_115 = tpu.memref_slice %arg14[%rem3A_84, %dma_wait3A_113, %dma_wait3A_114] : memref<2x128x16xf32, #tpu.memory_space<vmem>> -> memref<1x128x16xf32, #tpu.memory_space<vmem>>
      %dma_wait3A_116 = tpu.memref_squeeze %dma_wait3A_115 : memref<1x128x16xf32, #tpu.memory_space<vmem>> -> memref<128x16xf32, #tpu.memory_space<vmem>>
      %dma_wait3A_117 = arith.constant 0 : i32
      %dma_wait3A_118 = tpu.memref_slice %arg11[%scan3A_83, %dma_wait3A_117] : memref<50x128xi32, #tpu.memory_space<vmem>> -> memref<1x128xi32, #tpu.memory_space<vmem>>
      %dma_wait3A_119 = tpu.memref_squeeze %dma_wait3A_118 : memref<1x128xi32, #tpu.memory_space<vmem>> -> memref<128xi32, #tpu.memory_space<vmem>>
      %dma_wait3A_120 = arith.constant 0 : i32
      %dma_wait3A_121 = arith.constant 0 : i32
      %dma_wait3A_122 = tpu.memref_slice %arg7[%dma_wait3A_120, %dma_wait3A_121] : memref<100000x16xf32, #tpu.memory_space<hbm>> -> memref<100000x16xf32, #tpu.memory_space<hbm>>
      tpu.wait_indirect_dma semaphore(%arg17 : memref<!tpu.dma_semaphore, #tpu.memory_space<semaphore_mem>>) src(%dma_wait3A_122 : memref<100000x16xf32, #tpu.memory_space<hbm>>) dst(%dma_wait3A_116 : memref<128x16xf32, #tpu.memory_space<vmem>>)
      %mul3A_123 = arith.constant 128 : i32
      %mul3A_124 = arith.muli %scan3A_83, %mul3A_123 : i32
      %add3A_125 = arith.addi %mul3A_2, %mul3A_124 : i32
      %dma_start3A_126 = arith.constant 0 : i32
      %dma_start3A_127 = arith.constant 0 : i32
      %dma_start3A_128 = tpu.memref_slice %arg12[%rem3A_84, %dma_start3A_126, %dma_start3A_127] : memref<2x128x64xf32, #tpu.memory_space<vmem>> -> memref<1x128x64xf32, #tpu.memory_space<vmem>>
      %dma_start3A_129 = tpu.memref_squeeze %dma_start3A_128 : memref<1x128x64xf32, #tpu.memory_space<vmem>> -> memref<128x64xf32, #tpu.memory_space<vmem>>
      %dma_start3A_130 = arith.constant 0 : i32
      %dma_start3A_131 = tpu.memref_slice %arg8[%add3A_125, %dma_start3A_130] : memref<204800x96xf32, #tpu.memory_space<hbm>> -> memref<128x64xf32, #tpu.memory_space<hbm>>
      %dma_start3A_132 = arith.constant 0 : i32
      %dma_start3A_133 = tpu.memref_slice %arg8[%add3A_125, %dma_start3A_132] : memref<204800x96xf32, #tpu.memory_space<hbm>> -> memref<128x64xf32, #tpu.memory_space<hbm>>
      %dma_start3A_134 = arith.constant 0 : i32
      %dma_start3A_135 = arith.constant 0 : i32
      %dma_start3A_136 = tpu.memref_slice %arg12[%rem3A_84, %dma_start3A_134, %dma_start3A_135] : memref<2x128x64xf32, #tpu.memory_space<vmem>> -> memref<1x128x64xf32, #tpu.memory_space<vmem>>
      %dma_start3A_137 = tpu.memref_squeeze %dma_start3A_136 : memref<1x128x64xf32, #tpu.memory_space<vmem>> -> memref<128x64xf32, #tpu.memory_space<vmem>>
      tpu.enqueue_dma source(%dma_start3A_137 : memref<128x64xf32, #tpu.memory_space<vmem>>) target(%dma_start3A_133 : memref<128x64xf32, #tpu.memory_space<hbm>>) target_semaphore(%arg18 : memref<!tpu.dma_semaphore, #tpu.memory_space<semaphore_mem>>)
      %dma_start3A_138 = arith.constant 0 : i32
      %dma_start3A_139 = arith.constant 0 : i32
      %dma_start3A_140 = tpu.memref_slice %arg13[%rem3A_84, %dma_start3A_138, %dma_start3A_139] : memref<2x128x16xf32, #tpu.memory_space<vmem>> -> memref<1x128x16xf32, #tpu.memory_space<vmem>>
      %dma_start3A_141 = tpu.memref_squeeze %dma_start3A_140 : memref<1x128x16xf32, #tpu.memory_space<vmem>> -> memref<128x16xf32, #tpu.memory_space<vmem>>
      %dma_start3A_142 = arith.constant 64 : i32
      %dma_start3A_143 = tpu.memref_slice %arg8[%add3A_125, %dma_start3A_142] : memref<204800x96xf32, #tpu.memory_space<hbm>> -> memref<128x16xf32, #tpu.memory_space<hbm>>
      %dma_start3A_144 = arith.constant 64 : i32
      %dma_start3A_145 = tpu.memref_slice %arg8[%add3A_125, %dma_start3A_144] : memref<204800x96xf32, #tpu.memory_space<hbm>> -> memref<128x16xf32, #tpu.memory_space<hbm>>
      %dma_start3A_146 = arith.constant 0 : i32
      %dma_start3A_147 = arith.constant 0 : i32
      %dma_start3A_148 = tpu.memref_slice %arg13[%rem3A_84, %dma_start3A_146, %dma_start3A_147] : memref<2x128x16xf32, #tpu.memory_space<vmem>> -> memref<1x128x16xf32, #tpu.memory_space<vmem>>
      %dma_start3A_149 = tpu.memref_squeeze %dma_start3A_148 : memref<1x128x16xf32, #tpu.memory_space<vmem>> -> memref<128x16xf32, #tpu.memory_space<vmem>>
      tpu.enqueue_dma source(%dma_start3A_149 : memref<128x16xf32, #tpu.memory_space<vmem>>) target(%dma_start3A_145 : memref<128x16xf32, #tpu.memory_space<hbm>>) target_semaphore(%arg19 : memref<!tpu.dma_semaphore, #tpu.memory_space<semaphore_mem>>)
      %dma_start3A_150 = arith.constant 0 : i32
      %dma_start3A_151 = arith.constant 0 : i32
      %dma_start3A_152 = tpu.memref_slice %arg14[%rem3A_84, %dma_start3A_150, %dma_start3A_151] : memref<2x128x16xf32, #tpu.memory_space<vmem>> -> memref<1x128x16xf32, #tpu.memory_space<vmem>>
      %dma_start3A_153 = tpu.memref_squeeze %dma_start3A_152 : memref<1x128x16xf32, #tpu.memory_space<vmem>> -> memref<128x16xf32, #tpu.memory_space<vmem>>
      %dma_start3A_154 = arith.constant 80 : i32
      %dma_start3A_155 = tpu.memref_slice %arg8[%add3A_125, %dma_start3A_154] : memref<204800x96xf32, #tpu.memory_space<hbm>> -> memref<128x16xf32, #tpu.memory_space<hbm>>
      %dma_start3A_156 = arith.constant 80 : i32
      %dma_start3A_157 = tpu.memref_slice %arg8[%add3A_125, %dma_start3A_156] : memref<204800x96xf32, #tpu.memory_space<hbm>> -> memref<128x16xf32, #tpu.memory_space<hbm>>
      %dma_start3A_158 = arith.constant 0 : i32
      %dma_start3A_159 = arith.constant 0 : i32
      %dma_start3A_160 = tpu.memref_slice %arg14[%rem3A_84, %dma_start3A_158, %dma_start3A_159] : memref<2x128x16xf32, #tpu.memory_space<vmem>> -> memref<1x128x16xf32, #tpu.memory_space<vmem>>
      %dma_start3A_161 = tpu.memref_squeeze %dma_start3A_160 : memref<1x128x16xf32, #tpu.memory_space<vmem>> -> memref<128x16xf32, #tpu.memory_space<vmem>>
      tpu.enqueue_dma source(%dma_start3A_161 : memref<128x16xf32, #tpu.memory_space<vmem>>) target(%dma_start3A_157 : memref<128x16xf32, #tpu.memory_space<hbm>>) target_semaphore(%arg20 : memref<!tpu.dma_semaphore, #tpu.memory_space<semaphore_mem>>)
    }
    %scan3A_42 = arith.constant 50 : i32
    %add3A_43 = arith.constant 6272 : i32
    %add3A_44 = arith.addi %mul3A_2, %add3A_43 : i32
    %dma_wait3A = arith.constant 1 : i32
    %dma_wait3A_45 = arith.constant 0 : i32
    %dma_wait3A_46 = arith.constant 0 : i32
    %dma_wait3A_47 = tpu.memref_slice %arg12[%dma_wait3A, %dma_wait3A_45, %dma_wait3A_46] : memref<2x128x64xf32, #tpu.memory_space<vmem>> -> memref<1x128x64xf32, #tpu.memory_space<vmem>>
    %dma_wait3A_48 = tpu.memref_squeeze %dma_wait3A_47 : memref<1x128x64xf32, #tpu.memory_space<vmem>> -> memref<128x64xf32, #tpu.memory_space<vmem>>
    %dma_wait3A_49 = arith.constant 0 : i32
    %dma_wait3A_50 = tpu.memref_slice %arg8[%add3A_44, %dma_wait3A_49] : memref<204800x96xf32, #tpu.memory_space<hbm>> -> memref<128x64xf32, #tpu.memory_space<hbm>>
    %dma_wait3A_51 = arith.constant 0 : i32
    %dma_wait3A_52 = tpu.memref_slice %arg8[%add3A_44, %dma_wait3A_51] : memref<204800x96xf32, #tpu.memory_space<hbm>> -> memref<128x64xf32, #tpu.memory_space<hbm>>
    %dma_wait3A_53 = arith.constant 0 : i32
    %dma_wait3A_54 = arith.constant 0 : i32
    %dma_wait3A_55 = tpu.memref_slice %arg12[%dma_wait3A, %dma_wait3A_53, %dma_wait3A_54] : memref<2x128x64xf32, #tpu.memory_space<vmem>> -> memref<1x128x64xf32, #tpu.memory_space<vmem>>
    %dma_wait3A_56 = tpu.memref_squeeze %dma_wait3A_55 : memref<1x128x64xf32, #tpu.memory_space<vmem>> -> memref<128x64xf32, #tpu.memory_space<vmem>>
    tpu.wait_dma2 semaphore(%arg18 : memref<!tpu.dma_semaphore, #tpu.memory_space<semaphore_mem>>) src(%dma_wait3A_56 : memref<128x64xf32, #tpu.memory_space<vmem>>) dst(%dma_wait3A_52 : memref<128x64xf32, #tpu.memory_space<hbm>>)
    %dma_wait3A_57 = arith.constant 1 : i32
    %dma_wait3A_58 = arith.constant 0 : i32
    %dma_wait3A_59 = arith.constant 0 : i32
    %dma_wait3A_60 = tpu.memref_slice %arg13[%dma_wait3A_57, %dma_wait3A_58, %dma_wait3A_59] : memref<2x128x16xf32, #tpu.memory_space<vmem>> -> memref<1x128x16xf32, #tpu.memory_space<vmem>>
    %dma_wait3A_61 = tpu.memref_squeeze %dma_wait3A_60 : memref<1x128x16xf32, #tpu.memory_space<vmem>> -> memref<128x16xf32, #tpu.memory_space<vmem>>
    %dma_wait3A_62 = arith.constant 64 : i32
    %dma_wait3A_63 = tpu.memref_slice %arg8[%add3A_44, %dma_wait3A_62] : memref<204800x96xf32, #tpu.memory_space<hbm>> -> memref<128x16xf32, #tpu.memory_space<hbm>>
    %dma_wait3A_64 = arith.constant 64 : i32
    %dma_wait3A_65 = tpu.memref_slice %arg8[%add3A_44, %dma_wait3A_64] : memref<204800x96xf32, #tpu.memory_space<hbm>> -> memref<128x16xf32, #tpu.memory_space<hbm>>
    %dma_wait3A_66 = arith.constant 0 : i32
    %dma_wait3A_67 = arith.constant 0 : i32
    %dma_wait3A_68 = tpu.memref_slice %arg13[%dma_wait3A_57, %dma_wait3A_66, %dma_wait3A_67] : memref<2x128x16xf32, #tpu.memory_space<vmem>> -> memref<1x128x16xf32, #tpu.memory_space<vmem>>
    %dma_wait3A_69 = tpu.memref_squeeze %dma_wait3A_68 : memref<1x128x16xf32, #tpu.memory_space<vmem>> -> memref<128x16xf32, #tpu.memory_space<vmem>>
    tpu.wait_dma2 semaphore(%arg19 : memref<!tpu.dma_semaphore, #tpu.memory_space<semaphore_mem>>) src(%dma_wait3A_69 : memref<128x16xf32, #tpu.memory_space<vmem>>) dst(%dma_wait3A_65 : memref<128x16xf32, #tpu.memory_space<hbm>>)
    %dma_wait3A_70 = arith.constant 1 : i32
    %dma_wait3A_71 = arith.constant 0 : i32
    %dma_wait3A_72 = arith.constant 0 : i32
    %dma_wait3A_73 = tpu.memref_slice %arg14[%dma_wait3A_70, %dma_wait3A_71, %dma_wait3A_72] : memref<2x128x16xf32, #tpu.memory_space<vmem>> -> memref<1x128x16xf32, #tpu.memory_space<vmem>>
    %dma_wait3A_74 = tpu.memref_squeeze %dma_wait3A_73 : memref<1x128x16xf32, #tpu.memory_space<vmem>> -> memref<128x16xf32, #tpu.memory_space<vmem>>
    %dma_wait3A_75 = arith.constant 80 : i32
    %dma_wait3A_76 = tpu.memref_slice %arg8[%add3A_44, %dma_wait3A_75] : memref<204800x96xf32, #tpu.memory_space<hbm>> -> memref<128x16xf32, #tpu.memory_space<hbm>>
    %dma_wait3A_77 = arith.constant 80 : i32
    %dma_wait3A_78 = tpu.memref_slice %arg8[%add3A_44, %dma_wait3A_77] : memref<204800x96xf32, #tpu.memory_space<hbm>> -> memref<128x16xf32, #tpu.memory_space<hbm>>
    %dma_wait3A_79 = arith.constant 0 : i32
    %dma_wait3A_80 = arith.constant 0 : i32
    %dma_wait3A_81 = tpu.memref_slice %arg14[%dma_wait3A_70, %dma_wait3A_79, %dma_wait3A_80] : memref<2x128x16xf32, #tpu.memory_space<vmem>> -> memref<1x128x16xf32, #tpu.memory_space<vmem>>
    %dma_wait3A_82 = tpu.memref_squeeze %dma_wait3A_81 : memref<1x128x16xf32, #tpu.memory_space<vmem>> -> memref<128x16xf32, #tpu.memory_space<vmem>>
    tpu.wait_dma2 semaphore(%arg20 : memref<!tpu.dma_semaphore, #tpu.memory_space<semaphore_mem>>) src(%dma_wait3A_82 : memref<128x16xf32, #tpu.memory_space<vmem>>) dst(%dma_wait3A_78 : memref<128x16xf32, #tpu.memory_space<hbm>>)
    return
  }
}

</mosaic_0001>

<sc_bundles>
// kernel: kernel.3.cloned.1.call-start
scs
__scs_entry_jumppad:
0x0: {  	(pc) =	sbr.rel $0x88, $3  }
0x1: {  	(tag) =	ssettag $0x0;
	lr =	simm.s32 $0x1  }
0x2: {  	[smem:$0x3F9B] =	sst lr;
	_ =	strace $0xD0000000  }
0x3: {  	_ = 	snop  }
0x4: {  	_ = 	snop  }
0x5: {  	_ = 	snop  }
0x6: {  	_ = 	snop  }
0x7: {  	_ = 	snop  }
__scs_overlays_trampoline_lowered:
0x8: {  	[smem:$0x3FAA] =	sst s0  }
0x9: {  	[smem:$0x3FAB] =	sst s1  }
0xa: {  	[smem:$0x3FAC] =	sst s2  }
0xb: {  	[smem:$0x3FAD] =	sst s3  }
0xc: {  	[smem:$0x3FAE] =	sst s4  }
0xd: {  	[smem:$0x3FAF] =	sst s5  }
0xe: {  	[smem:$0x3FB0] =	sst s6  }
0xf: {  	[smem:$0x3FB1] =	sst s7  }
0x10: {  	[smem:$0x3FB2] =	sst s8  }
0x11: {  	[smem:$0x3FB3] =	sst s9;
	s0 =	simm.s32 @!p0 $0x0  }
0x12: {  	s1 =	sld [smem:$0x3F99];
	s0 =	simm.s32 @p0 $0x1  }
0x13: {  	[smem:$0x3FB4] =	sst s0;
	s0 =	simm.s32 @!p1 $0x0  }
0x14: {  	s2 =	sld [smem:$0x3F98];
	s0 =	simm.s32 @p1 $0x1  }
0x15: {  	[smem:$0x3FB5] =	sst s0;
	s0 =	simm.s32 @!p2 $0x0  }
0x16: {  	s3 =	sld [smem:$0x3FDB];
	s0 =	simm.s32 @p2 $0x1  }
0x17: {  	s4 =	simm.s32 $0x1BF5;
	[smem:$0x3FB7] =	sst s0  }
0x18: {  	s0 =	sld [smem:$0x3F9A];
	_ =	swait.ge [sflag:s4], $0x0  }
0x19: {  	s7 =	sld [smem:$0x3F9B]  }
0x1a: {  	s8 =	sadd.s32 $0xFFFFE003, lr  }
0x1b: {  	s9 =	sadd.s32 $0xFFFFFEF7, lr;
	s5 =	simm.s32 $0xFFFFFFFF;
	p2 =	slt.u32 s8, $0xFFFFF086  }
0x1c: {  	p1 =	slt.u32 s9, $0xF7A;
	s5 =	simm.s32 @!p2 $0x0  }
0x1d: {  	s5 =	simm.s32 @p1 $0x1;
	p0 =	seq.s32 s7, s2  }
0x1e: {  	s7 =	smul.u32 @!p0 $0xF7A, s2;
	p2 =	seq.s32 @!p0 s5, $0x0  }
0x1f: {  	s9 =	smul.u32 $0xF7A, s1;
	s8 =	simm.s32 @!p0 $0x1BF5;
	p2 =	por !p2, p0  }
0x20: {  	[sflag:s8] =	ssyncset.s32 @!p0 $0xFFFFF086;
	s6 =	sadd.s32 @!p0 s3, s7;
	s7 =	simm.s32 @!p0 $0x108  }
0x21: {  	s3 =	sadd.s32 s3, s9;
	s6 =	sadd.s32 @!p0 $0x88, s6;
	s7 =	simm.s32 @p2 $0x1082  }
0x22: {  	[simem:s7], [sflag:s8] =	dma.local @!p0 [hbm:s6], $0xF7A  }
0x23: {  	s9 =	sor.u32 $0xD0000000, s2;
	s6 =	simm.s32 $0x108;
	_ =	swait.ge @!p0 [sflag:s8], $0x0  }
0x24: {  	s3 =	sadd.s32 $0x88, s3;
	s6 =	simm.s32 @!p1 $0x1082;
	[sflag:s4] =	ssyncset.s32 $0xFFFFF086  }
0x25: {  	[simem:s6], [sflag:s4] =	dma.local [hbm:s3], $0xF7A  }
0x26: {  	[smem:$0x3F9B] =	sst s1;
	(tag) =	ssettag s2;
	_ =	strace s9  }
0x27: {  	s1 =	sld [smem:$0x3FAB]  }
0x28: {  	s2 =	sld [smem:$0x3FAC]  }
0x29: {  	s4 =	sld [smem:$0x3FAE]  }
0x2a: {  	p0 =	seq.s32 s5, $0x0;
	s5 =	sld [smem:$0x3FAF]  }
0x2b: {  	s6 =	sld [smem:$0x3FB0]  }
0x2c: {  	s7 =	sld [smem:$0x3FB1]  }
0x2d: {  	s3 =	simm.s32 $0x108;
	s8 =	sld [smem:$0x3FB2]  }
0x2e: {  	s3 =	simm.s32 @!p0 $0x1082;
	s9 =	sld [smem:$0x3FB3]  }
0x2f: {  	lr =	sadd.s32 s0, s3;
	s0 =	sld [smem:$0x3FAA]  }
0x30: {  	s3 =	sld [smem:$0x3FAD]  }
0x31: {  	[smem:$0x3FB6] =	sst s10  }
0x32: {  	s10 =	sld [smem:$0x3FB4];
	_ =	sdelay $0x3  }
0x33: {  	p0 =	seq.s32 s10, $0x1;
	s10 =	sld [smem:$0x3FB6];
	_ =	sdelay $0x3  }
0x34: {  	[smem:$0x3FB6] =	sst s10  }
0x35: {  	s10 =	sld [smem:$0x3FB5];
	_ =	sdelay $0x3  }
0x36: {  	p1 =	seq.s32 s10, $0x1;
	s10 =	sld [smem:$0x3FB6];
	_ =	sdelay $0x3  }
0x37: {  	[smem:$0x3FB6] =	sst s10  }
0x38: {  	s10 =	sld [smem:$0x3FB7]  }
0x39: {  	_ = 	snop;
	(pc) =	sbr.ind lr, $3  }
0x3a: {  	_ = 	snop  }
0x3b: {  	_ = 	snop  }
0x3c: {  	p2 =	seq.s32 s10, $0x1;
	s10 =	sld [smem:$0x3FB6]  }
0x3d: {  	_ =	shalt  }
0x3e: {  	_ =	shalt  }
0x3f: {  	_ =	shalt  }
0x40: {  	_ =	shalt  }
0x41: {  	_ =	shalt  }
0x42: {  	_ =	shalt  }
0x43: {  	_ =	shalt  }
0x44: {  	_ =	shalt  }
0x45: {  	_ =	shalt  }
0x46: {  	_ =	shalt  }
0x47: {  	_ =	shalt  }
0x48: {  	_ =	shalt  }
0x49: {  	_ =	shalt  }
0x4a: {  	_ =	shalt  }
0x4b: {  	_ =	shalt  }
0x4c: {  	_ =	shalt  }
0x4d: {  	_ =	shalt  }
0x4e: {  	_ =	shalt  }
0x4f: {  	_ =	shalt  }
0x50: {  	_ =	shalt  }
0x51: {  	_ =	shalt  }
0x52: {  	_ =	shalt  }
0x53: {  	_ =	shalt  }
0x54: {  	_ =	shalt  }
0x55: {  	_ =	shalt  }
0x56: {  	_ =	shalt  }
0x57: {  	_ =	shalt  }
0x58: {  	_ =	shalt  }
0x59: {  	_ =	shalt  }
0x5a: {  	_ =	shalt  }
0x5b: {  	_ =	shalt  }
0x5c: {  	_ =	shalt  }
0x5d: {  	_ =	shalt  }
0x5e: {  	_ =	shalt  }
0x5f: {  	_ =	shalt  }
0x60: {  	_ =	shalt  }
0x61: {  	_ =	shalt  }
0x62: {  	_ =	shalt  }
0x63: {  	_ =	shalt  }
0x64: {  	_ =	shalt  }
0x65: {  	_ =	shalt  }
0x66: {  	_ =	shalt  }
0x67: {  	_ =	shalt  }
0x68: {  	_ =	shalt  }
0x69: {  	_ =	shalt  }
0x6a: {  	_ =	shalt  }
0x6b: {  	_ =	shalt  }
0x6c: {  	_ =	shalt  }
0x6d: {  	_ =	shalt  }
0x6e: {  	_ =	shalt  }
0x6f: {  	_ =	shalt  }
0x70: {  	_ =	shalt  }
0x71: {  	_ =	shalt  }
0x72: {  	_ =	shalt  }
0x73: {  	_ =	shalt  }
0x74: {  	_ =	shalt  }
0x75: {  	_ =	shalt  }
0x76: {  	_ =	shalt  }
0x77: {  	_ =	shalt  }
0x78: {  	_ =	shalt  }
0x79: {  	_ =	shalt  }
0x7a: {  	_ =	shalt  }
0x7b: {  	_ =	shalt  }
0x7c: {  	_ =	shalt  }
0x7d: {  	_ =	shalt  }
0x7e: {  	_ =	shalt  }
0x7f: {  	_ =	shalt  }
0x80: {  	_ =	shalt  }
0x81: {  	_ =	shalt  }
0x82: {  	_ =	shalt  }
0x83: {  	_ =	shalt  }
0x84: {  	_ =	shalt  }
0x85: {  	_ =	shalt  }
0x86: {  	_ =	shalt  }
0x87: {  	_ =	shalt  }
.Lfunc_end0:
.L_simem_size_0:
called_computation.1_lowered:
.L_overlay_start_0:
0x88: {  	s2 =	sld [smem:$0x3FD9]  }
0x89: {  	s3 =	sld [smem:$0x3FFE];
	_ =	sdelay $0x1  }
0x8a: {  	s1 =	srdreg.scid  }
0x8b: {  	s0 =	sand.u32 $0x1, s1  }
0x8c: {  	s17 =	sshll.u32 s0, $0xA;
	s2 =	sadd.s32 s3, s2  }
0x8d: {  	s2 =	sadd.s32 s2, s17  }
0x8e: {  	[smem:$0x3FC2] =	sst s2  }
0x8f: {  	_ = 	snop  }
0x90: {  	s2 =	sld [smem:$0x3FD0];
	(tm) =	ssettm $0x1  }
0x91: {  	s18 =	sld [smem:$0x3FFB];
	_ =	sdelay $0x3  }
0x92: {  	_ =	strace s18  }
0x93: {  	s3 =	sld [smem:$0x3FFC];
	_ =	sdelay $0x3  }
0x94: {  	_ =	strace s3  }
0x95: {  	s3 =	sld [smem:$0x3FFD];
	_ =	sdelay $0x3  }
0x96: {  	_ =	strace s3  }
0x97: {  	_ =	strace $0x8FFFFFFF  }
0x98: {  	s19 =	sld [smem:$0x3FDB];
	_ =	sdelay $0x1  }
0x99: {  	s4 =	simm.s32 $_scs_section_size  }
0x9a: {  	s5 =	simm.s32 $_size__tile_overlayer_lowered;
	s6 =	simm.s32 $_tile_overlayer_lowered  }
0x9b: {  	s22 =	simm.s32 $0x1BFF;
	s21 =	sshll.u32 s6, $0x1;
	s3 =	sadd.s32 s4, s19  }
0x9c: {  	s7 =	simm.s32 $0x0;
	s20 =	sshll.u32 s5, $0x1;
	s5 =	sadd.s32 s21, s3  }
0x9d: {  	[timem:s7], [sflag:s22] =	dma.local [hbm:s5], s20  }
0x9e: {  	_ =	swait.ge [sflag:s22], s20  }
0x9f: {  	s4 =	ssub.s32 $0x0, s20;
	[sflag:s22] =	ssyncset.done $0x0  }
0xa0: {  	[sflag:s22] =	ssyncadd.s32 s4;
	_ =	sdelay $0x1  }
0xa1: {  	s23 =	simm.s32 $0x1B8B  }
0xa2: {  	_ =	swait.ge [sflag:s23], $0x1  }
0xa3: {  	[sflag:s23] =	ssyncset.done $0x0  }
0xa4: {  	s25 =	simm.s32 $0x1B8E;
	s24 =	sld [smem:$0x3FFE];
	[sflag:s23] =	ssyncadd.s32 $0xFFFFFFFF  }
0xa5: {  	s26 =	simm.s32 $execute0_lowered;
	[smem:$0x3FD2] =	sst s25  }
0xa6: {  	s5 =	sshll.u32 s26, $0x1;
	_ =	strace $0x80000046;
	[dreg:$0x1] =	wrdreg $0xFFFFFFFF  }
0xa7: {  	s28 =	simm.s32 $_size_execute0_lowered;
	s3 =	sadd.s32 s3, s5;
	[dreg:$0x0] =	wrdreg $0x0  }
0xa8: {  	s5 =	sshll.u32 s28, $0x1;
	[dreg:$0x2] =	wrdreg s3  }
0xa9: {  	[dreg:$0x3] =	wrdreg s5  }
0xaa: {  	[dreg:$0x4] =	wrdreg $0xC0  }
0xab: {  	_ =	task [dreg:s7], $0x5FFFF  }
0xac: {  	[dreg:$0x1] =	wrdreg $0xFFFFFFFF  }
0xad: {  	[dreg:$0x0] =	wrdreg $0x60  }
0xae: {  	[dreg:$0x2] =	wrdreg s24  }
0xaf: {  	[dreg:$0x3] =	wrdreg s2  }
0xb0: {  	[dreg:$0x4] =	wrdreg $0x9  }
0xb1: {  	_ =	task.clear_ibuf [dreg:s7], $0x5FFFF;
	_ =	strace $0x90000046  }
0xb2: {  	s29 =	simm.s32 $0x9;
	_ =	strace $0x80000048  }
0xb3: {  	_ =	swait.ge [sflag:s29], $0x1  }
0xb4: {  	[sflag:s29] =	ssyncadd.s32 $0xFFFFFFFF  }
0xb5: {  	_ =	strace $0x90000048  }
0xb6: {  	_ =	sfence  }
0xb7: {  	s30 =	sld [smem:$0x0];
	_ =	sdelay $0x2  }
0xb8: {  	s31 =	sshll.u32 s1, $0xD;
	s1 =	sshrl.u32 s1, $0x2  }
0xb9: {  	s3 =	sand.u32 $0x4000, s31;
	s1 =	sadd.s32 s1, s30  }
0xba: {  	s0 =	sor.u32 s3, s0;
	s1 =	sshll.u32 s1, $0x11  }
0xbb: {  	s0 =	sor.u32 s1, s0  }
0xbc: {  	s0 =	sadd.s32 $0x8F2B, s0  }
0xbd: {  	[sflag:s0] =	ssyncadd.remote.s32 $0x1  }
0xbe: {  	_ =	sfence.sel $0xFFFF  }
0xbf: {  	[dreg:$0x0] =	wrdreg $0xFFFFFFFF;
	(pc) =	sbr.abs _section_cstart, $3  }
0xc0: {  	[dreg:$0x1] =	wrdreg $0xFFFFFFFF  }
0xc1: {  	_ =	task.clear_ibuf [dreg:s7], $0x2FFFF;
	_ =	strace $0x9FFFFFFF  }
0xc2: {  	(tm) =	ssettm $0x7FFFFFFF  }
0xc3: {  	_ =	shalt  }
tec
execute0_lowered:
.L_overlay_start_1:
0x0: {  	(tag) =	ssettag $0x1  }
0x1: {  	s0 =	srdreg.scid  }
0x2: {  	s2 =	stileid.u32;
	s1 =	rddreg [dreg:$0x0]  }
0x3: {  	s14 =	simm.s32 $0x7;
	s15 =	simm.s32 $0x1900;
	s16 =	simm.s32 $0x3200  }
0x4: {  	s17 =	simm.s32 $0x80;
	s21 =	simm.s32 $0x1;
	s22 =	simm.s32 $0x2  }
0x5: {  	s23 =	simm.s32 $0x3;
	s28 =	simm.s32 $0x4;
	s29 =	simm.s32 $0x5  }
0x6: {  	s30 =	simm.s32 $0x6;
	s31 =	simm.s32 $0x0;
	s0 =	sand.u32 $0x1, s0  }
0x7: {  	s3 =	sshll.u32 s2, $0x1;
	s2 =	rddreg [dreg:$0x1];
	s6 =	sadd.s32 $0x32000, s1  }
0x8: {  	s7 =	sadd.s32 $0x1200, s1;
	s4 =	sor.u32 s0, s3;
	s3 =	simm.s32 $0x0  }
0x9: {  	s0 =	ssub.s32 $0x2, s0;
	s11 =	sadd.s32 $0x8, s2;
	s4 =	smul.u32 $0x1900, s4  }
0xa: {  	s12 =	sadd.s32 $0xA, s2;
	[smem:$0x7FF] =	sst s3;
	s24 =	sshrl.u32 s0, $0x1  }
.Ltmp0:
0xb: {  	_ =	strace $0x80000047;
	s5 =	sshrl.u32 s4, $0x3;
	(pc) =	sbr.rel .LBB2_1-.Ltmp0, $4  }
0xc: {  	s0 =	ssub.s32 s0, s24;
	s24 =	simm.s32 $0x40;
	s10 =	sadd.s32 s5, s1  }
0xd: {  	s13 =	smax.u32 s0, $0x1;
	s5 =	sadd.s32 $0xF43600, s1;
	s25 =	sadd.s32 $0x6F600, s10  }
0xe: {  	s26 =	sadd.s32 $0x69200, s10;
	s10 =	sadd.s32 $0x62E00, s10;
	[dreg:$0x3] =	wrdreg s25  }
0xf: {  	[dreg:$0x4] =	wrdreg s26;
	s25 =	simm.s32 $0x60;
	s26 =	simm.s32 $0x10  }
.LBB2_5:
0x10: {  	_ =	swait.ge [sflag:s28], $0x2000  }
0x11: {  	[sflag:s28] =	ssyncset.done $0x0  }
0x12: {  	s31 =	sadd.s32 $0x1, s31;
	[sflag:s28] =	ssyncadd.s32 $0xFFFFE000  }
0x13: {  	p0 =	sne.s32 s31, s13;
	_ =	swait.ge [sflag:s29], $0x800  }
.Ltmp1:
0x14: {  	[sflag:s29] =	ssyncset.done $0x0;
	(pc) =	sbr.rel @!p0 .LBB2_6-.Ltmp1, $4  }
0x15: {  	[sflag:s29] =	ssyncadd.s32 $0xFFFFF800  }
0x16: {  	_ =	swait.ge [sflag:s30], $0x800  }
0x17: {  	[sflag:s30] =	ssyncset.done $0x0  }
0x18: {  	[sflag:s30] =	ssyncadd.s32 $0xFFFFF800  }
.LBB2_1:
0x19: {  	s0 =	rddreg [dreg:$0x3]  }
0x1a: {  	[tilespmem:s3], [sflag:$0x7] =	stream.linear.gather [hbm4b:s0+s3], $0x1900, $0x38;
	[tilespmem:$0xAB00] =	vst v63  }
0x1b: {  	_ =	swait.ge [sflag:s14], $0x1900  }
0x1c: {  	[sflag:s14] =	ssyncset.done $0x0  }
0x1d: {  	s9 =	rddreg [dreg:$0x4];
	[sflag:s14] =	ssyncadd.s32 $0xFFFFE700  }
0x1e: {  	[tilespmem:s15], [sflag:$0x7] =	stream.linear.gather [hbm4b:s9+s3], $0x1900, $0x38;
	[tilespmem:$0xAB00] =	vst v63  }
0x1f: {  	_ =	swait.ge [sflag:s14], $0x1900  }
0x20: {  	[sflag:s14] =	ssyncset.done $0x0  }
0x21: {  	[sflag:s14] =	ssyncadd.s32 $0xFFFFE700  }
0x22: {  	[tilespmem:s16], [sflag:$0x7] =	stream.linear.gather [hbm4b:s10+s3], $0x1900, $0x38;
	[tilespmem:$0xAB00] =	vst v63  }
0x23: {  	_ =	swait.ge [sflag:s14], $0x1900  }
0x24: {  	[sflag:s14] =	ssyncset.done $0x0  }
0x25: {  	s18 =	simm.s32 $0x4B00;
	[sflag:s14] =	ssyncadd.s32 $0xFFFFE700  }
0x26: {  	[tilespmem:s18], [sflag:$0x1] =	stream.indirect.gather [hbm4b:s5+s17], $0x40, s3, s17, $0xb8;
	[tilespmem:$0xAB00] =	vst v63  }
.Ltmp2:
0x27: {  	_ = 	snop;
	(pc) =	sbr.rel .LBB2_2-.Ltmp2, $4  }
0x28: {  	s19 =	simm.s32 $0x8B00  }
0x29: {  	[tilespmem:s19], [sflag:$0x2] =	stream.indirect.gather [hbm4b:s6+s17], $0x10, s15, s17, $0xb8;
	[tilespmem:$0xAB00] =	vst v63  }
0x2a: {  	s20 =	simm.s32 $0x9B00;
	s1 =	simm.s32 $0x0  }
0x2b: {  	[tilespmem:s20], [sflag:$0x3] =	stream.indirect.gather [hbm4b:s7+s17], $0x10, s16, s17, $0xb8;
	[tilespmem:$0xAB00] =	vst v63  }
.LBB2_4:
0x2c: {  	_ =	swait.ge [sflag:s21], $0x2000  }
0x2d: {  	[sflag:s21] =	ssyncset.done $0x0  }
0x2e: {  	[sflag:s21] =	ssyncadd.s32 $0xFFFFE000  }
0x2f: {  	_ =	swait.ge [sflag:s22], $0x800  }
0x30: {  	s1 =	sshll.u32 s1, $0x7;
	[sflag:s22] =	ssyncset.done $0x0  }
0x31: {  	s1 =	sadd.s32 s4, s1;
	[sflag:s22] =	ssyncadd.s32 $0xFFFFF800  }
0x32: {  	s8 =	sshll.u32 s18, $0xB;
	s1 =	smul.u32 $0xC, s1;
	_ =	swait.ge [sflag:s23], $0x800  }
0x33: {  	s9 =	sshll.u32 s18, $0xD;
	p0 =	slt.u32 s0, $0x32;
	[sflag:s23] =	ssyncset.done $0x0  }
0x34: {  	s9 =	sor.u32 $0x4B00, s9;
	s20 =	sadd.s32 s2, s1;
	[sflag:s23] =	ssyncadd.s32 $0xFFFFF800  }
0x35: {  	[hbm4b:s20+s24] =	stream.strided.scatter [tilespmem:s9], [sflag:$0x4], $0x2000, s25, s24, $0x38;
	[tilespmem:$0xAB00] =	vst v63  }
.Ltmp3:
0x36: {  	s19 =	sadd.s32 $0x8B00, s8;
	s20 =	sadd.s32 s1, s11;
	(pc) =	sbr.rel @!p0 .LBB2_5-.Ltmp3, $4  }
0x37: {  	[hbm4b:s20+s26] =	stream.strided.scatter [tilespmem:s19], [sflag:$0x5], $0x800, s25, s26, $0x38;
	[tilespmem:$0xAB00] =	vst v63  }
0x38: {  	s8 =	sadd.s32 $0x9B00, s8;
	s1 =	sadd.s32 s1, s12  }
0x39: {  	[hbm4b:s1+s26] =	stream.strided.scatter [tilespmem:s8], [sflag:$0x6], $0x800, s25, s26, $0x38;
	[tilespmem:$0xAB00] =	vst v63  }
0x3a: {  	s1 =	smov.u32 s0  }
.LBB2_2:
0x3b: {  	p0 =	seq.s32 s1, $0x0  }
0x3c: {  	s0 =	simm.s32 @!p0 $0x4  }
0x3d: {  	_ =	swait.ge @!p0 [sflag:s0], $0x2000  }
0x3e: {  	[sflag:s0] =	ssyncset.done @!p0 $0x0  }
0x3f: {  	p1 =	seq.s32 @!p0 s1, $0x31;
	[sflag:s0] =	ssyncadd.s32 @!p0 $0xFFFFE000;
	s0 =	simm.s32 @!p0 $0x5  }
0x40: {  	p1 =	por p0, !p1;
	_ =	swait.ge @!p0 [sflag:s0], $0x800  }
.Ltmp4:
0x41: {  	[sflag:s0] =	ssyncset.done @!p0 $0x0;
	(pc) =	sbr.rel @!p1 .LBB2_4-.Ltmp4, $4  }
0x42: {  	[sflag:s0] =	ssyncadd.s32 @!p0 $0xFFFFF800;
	s0 =	simm.s32 @!p0 $0x6  }
0x43: {  	_ =	swait.ge @!p0 [sflag:s0], $0x800  }
0x44: {  	[sflag:s0] =	ssyncset.done @!p0 $0x0  }
0x45: {  	s18 =	sand.u32 $0x1, s1;
	[sflag:s0] =	ssyncadd.s32 @!p0 $0xFFFFF800;
	s0 =	simm.s32 @!p0 $0x32  }
0x46: {  	s0 =	sadd.s32 @!p0 $0x1, s1;
	s19 =	sxor.u32 $0x1, s18  }
0x47: {  	s0 =	simm.s32 @p0 $0x1;
	s20 =	sshll.u32 s19, $0xD  }
0x48: {  	s20 =	sor.u32 $0x4B00, s20;
	s8 =	sshll.u32 s0, $0x7  }
0x49: {  	[tilespmem:s20], [sflag:$0x1] =	stream.indirect.gather [hbm4b:s5+s17], $0x40, s8, s17, $0xb8;
	[tilespmem:$0xAB00] =	vst v63  }
.Ltmp5:
0x4a: {  	s19 =	sshll.u32 s19, $0xB;
	(pc) =	sbr.rel .LBB2_4-.Ltmp5, $4  }
0x4b: {  	s20 =	sadd.s32 $0x8B00, s19;
	s9 =	sadd.s32 $0x1900, s8  }
0x4c: {  	[tilespmem:s20], [sflag:$0x2] =	stream.indirect.gather [hbm4b:s6+s17], $0x10, s9, s17, $0xb8;
	[tilespmem:$0xAB00] =	vst v63  }
0x4d: {  	s8 =	sadd.s32 $0x3200, s8;
	s20 =	sadd.s32 $0x9B00, s19  }
0x4e: {  	[tilespmem:s20], [sflag:$0x3] =	stream.indirect.gather [hbm4b:s7+s17], $0x10, s8, s17, $0xb8;
	[tilespmem:$0xAB00] =	vst v63  }
.LBB2_6:
0x4f: {  	_ =	sfence.sel $0x180000  }
0x50: {  	[bflag:$0x0] =	sbarrier.arrive $0xFFFF  }
0x51: {  	_ =	strace $0x90000047  }
0x52: {  	s0 =	stileid.u32;
	[bflag:$0x2] =	sbarrier.arrive $0xFFFF  }
0x53: {  	p0 =	sne.s32 s0, $0x0;
	s0 =	rddreg [dreg:$0x2]  }
0x54: {  	s0 =	sadd.s32 @!p0 $0x100000, s0  }
0x55: {  	[sflag:s0] =	ssyncadd.tile.s32 @!p0 $0x1;
	_ =	shalt  }
.Lfunc_end2:
_tile_overlayer_lowered:
.L_overlay_start_2:
0x56: {  	(tag) =	ssettag $0x2  }
0x57: {  	s0 =	rddreg [dreg:$0x0];
	s2 =	stileid.u32  }
0x58: {  	s1 =	rddreg [dreg:$0x1];
	p0 =	sne.s32 s2, $0x0  }
0x59: {  	s3 =	rddreg [dreg:$0x2];
	[bflag:$0x3] =	sbarrier.arrive $0xFFFF;
	s2 =	simm.s32 @!p0 $0x1C07  }
0x5a: {  	[timem:s3], [sflag:s2] =	dma.local @!p0 [hbm:s0], s1  }
0x5b: {  	s0 =	simm.s32 @!p0 $0x7  }
0x5c: {  	_ =	swait.ge @!p0 [sflag:s0], s1  }
0x5d: {  	s1 =	ssub.s32 @!p0 $0x0, s1;
	[sflag:s0] =	ssyncset.done @!p0 $0x0  }
0x5e: {  	[sflag:s0] =	ssyncadd.s32 @!p0 s1  }
0x5f: {  	[bflag:$0x3] =	sbarrier.arrive $0xFFFF  }
0x60: {  	_ =	shalt  }

// kernel: sparse-core-data-format-call.cloned.1.call-start
scs
called_computation_lowered:
.L_overlay_start_0:
0x0: {  	s2 =	sld [smem:$0x3FD9]  }
0x1: {  	s3 =	sld [smem:$0x3FFE];
	_ =	sdelay $0x1  }
0x2: {  	s1 =	srdreg.scid  }
0x3: {  	s0 =	sand.u32 $0x1, s1  }
0x4: {  	s18 =	sshll.u32 s0, $0xA;
	s2 =	sadd.s32 s3, s2  }
0x5: {  	s2 =	sadd.s32 s2, s18  }
0x6: {  	[smem:$0x3FC2] =	sst s2  }
0x7: {  	_ = 	snop  }
0x8: {  	s2 =	sld [smem:$0x3FD0];
	(tm) =	ssettm $0x1  }
0x9: {  	s19 =	sld [smem:$0x3FFB];
	_ =	sdelay $0x3  }
0xa: {  	_ =	strace s19  }
0xb: {  	s3 =	sld [smem:$0x3FFC];
	_ =	sdelay $0x3  }
0xc: {  	_ =	strace s3  }
0xd: {  	s3 =	sld [smem:$0x3FFD];
	_ =	sdelay $0x3  }
0xe: {  	_ =	strace s3  }
0xf: {  	_ =	strace $0x8FFFFFFF  }
0x10: {  	s20 =	sld [smem:$0x3FDB];
	_ =	sdelay $0x1  }
0x11: {  	s4 =	simm.s32 $_scs_section_size  }
0x12: {  	s5 =	simm.s32 $_size__tile_overlayer_lowered;
	s6 =	simm.s32 $_tile_overlayer_lowered  }
0x13: {  	s23 =	simm.s32 $0x1BFF;
	s22 =	sshll.u32 s6, $0x1;
	s3 =	sadd.s32 s4, s20  }
0x14: {  	s7 =	simm.s32 $0x0;
	s21 =	sshll.u32 s5, $0x1;
	s5 =	sadd.s32 s22, s3  }
0x15: {  	[timem:s7], [sflag:s23] =	dma.local [hbm:s5], s21  }
0x16: {  	_ =	swait.ge [sflag:s23], s21  }
0x17: {  	s4 =	ssub.s32 $0x0, s21;
	[sflag:s23] =	ssyncset.done $0x0  }
0x18: {  	[sflag:s23] =	ssyncadd.s32 s4;
	_ =	sdelay $0x1  }
0x19: {  	s24 =	simm.s32 $0x1B8B  }
0x1a: {  	_ =	swait.ge [sflag:s24], $0x1  }
0x1b: {  	[sflag:s24] =	ssyncset.done $0x0  }
0x1c: {  	s26 =	simm.s32 $0x1B8E;
	s25 =	sld [smem:$0x3FFE];
	[sflag:s24] =	ssyncadd.s32 $0xFFFFFFFF  }
0x1d: {  	s27 =	simm.s32 $execute0_lowered;
	[smem:$0x3FD2] =	sst s26  }
0x1e: {  	s5 =	sshll.u32 s27, $0x1;
	_ =	strace $0x80000049;
	[dreg:$0x1] =	wrdreg $0xFFFFFFFF  }
0x1f: {  	s28 =	simm.s32 $_size_execute0_lowered;
	s3 =	sadd.s32 s3, s5;
	[dreg:$0x0] =	wrdreg $0x0  }
0x20: {  	s5 =	sshll.u32 s28, $0x1;
	[dreg:$0x2] =	wrdreg s3  }
0x21: {  	[dreg:$0x3] =	wrdreg s5  }
0x22: {  	[dreg:$0x4] =	wrdreg $0xC0  }
0x23: {  	_ =	task [dreg:s7], $0x5FFFF  }
0x24: {  	[dreg:$0x1] =	wrdreg $0xFFFFFFFF  }
0x25: {  	[dreg:$0x0] =	wrdreg $0x60  }
0x26: {  	[dreg:$0x2] =	wrdreg s25  }
0x27: {  	[dreg:$0x3] =	wrdreg s2  }
0x28: {  	[dreg:$0x4] =	wrdreg $0x9  }
0x29: {  	_ =	task.clear_ibuf [dreg:s7], $0x5FFFF;
	_ =	strace $0x90000049  }
0x2a: {  	s29 =	simm.s32 $0x9;
	_ =	strace $0x8000004B  }
0x2b: {  	_ =	swait.ge [sflag:s29], $0x1  }
0x2c: {  	[sflag:s29] =	ssyncadd.s32 $0xFFFFFFFF  }
0x2d: {  	_ =	strace $0x9000004B  }
0x2e: {  	_ =	sfence  }
0x2f: {  	s30 =	sld [smem:$0x0];
	_ =	sdelay $0x2  }
0x30: {  	s31 =	sshll.u32 s1, $0xD;
	s1 =	sshrl.u32 s1, $0x2  }
0x31: {  	s3 =	sand.u32 $0x4000, s31;
	s1 =	sadd.s32 s1, s30  }
0x32: {  	s0 =	sor.u32 s3, s0;
	s1 =	sshll.u32 s1, $0x11  }
0x33: {  	s0 =	sor.u32 s1, s0  }
0x34: {  	s0 =	sadd.s32 $0x8F2B, s0  }
0x35: {  	[sflag:s0] =	ssyncadd.remote.s32 $0x1  }
0x36: {  	_ =	sfence.sel $0xFFFF  }
0x37: {  	[dreg:$0x0] =	wrdreg $0xFFFFFFFF;
	(pc) =	sbr.abs _section_cstart, $3  }
0x38: {  	[dreg:$0x1] =	wrdreg $0xFFFFFFFF  }
0x39: {  	_ =	task.clear_ibuf [dreg:s7], $0x2FFFF;
	_ =	strace $0x9FFFFFFF  }
0x3a: {  	(tm) =	ssettm $0x7FFFFFFF  }
0x3b: {  	_ =	shalt  }
tec
execute0_lowered:
.L_overlay_start_1:
0x0: {  	(tag) =	ssettag $0x1  }
0x1: {  	s0 =	srdreg.scid  }
0x2: {  	s1 =	sshll.u32 s0, $0x4  }
0x3: {  	s6 =	rddreg [dreg:$0x0];
	s0 =	stileid.u32;
	s1 =	sand.u32 $0x10, s1  }
0x4: {  	s3 =	rddreg [dreg:$0x1];
	s1 =	sor.u32 s0, s1  }
0x5: {  	s5 =	simm.s32 $0x1;
	s31 =	simm.s32 $0x2;
	s2 =	sshll.u32 s1, $0x7  }
0x6: {  	s15 =	simm.s32 $0x0;
	s8 =	simm.s32 $0x8000;
	s4 =	ssub.s32 $0x1000, s2  }
0x7: {  	s14 =	simm.s32 $0x0;
	s9 =	simm.s32 $0x0;
	s30 =	sand.u32 $0xF80, s4  }
0x8: {  	s10 =	simm.s32 $0x0;
	s11 =	simm.s32 $0x0;
	p0 =	sne.s32 s30, $0x0  }
.Ltmp0:
0x9: {  	s7 =	sshrl.u32 s4, $0xC;
	s5 =	simm.s32 @!p0 $0x0;
	(pc) =	sbr.rel .LBB1_1-.Ltmp0, $4  }
0xa: {  	s13 =	simm.s32 $0x0;
	s1 =	rddreg [dreg:$0x2];
	s5 =	sadd.s32 s5, s7  }
0xb: {  	_ =	strace $0x8000004A;
	s4 =	simm.s32 $0x1;
	s5 =	smul.u32 $0x32, s5  }
0xc: {  	s6 =	sadd.s32 $0x1200, s6;
	s12 =	smov.u32 s2;
	[sflag:s4] =	ssyncpa.u1 $0x0  }
0xd: {  	[sflag:s31] =	ssyncpa.u1 $0x0;
	p0 =	por $0x0, $0x0;
	s7 =	sor.u32 $0x1, s5  }
.LBB1_4:
0xe: {  	s20 =	sshra.s32 s20, $0x2;
	s28 =	sshll.u32 s10, $0x3;
	p1 =	sgt.s32 s9, $0x31  }
0xf: {  	s21 =	smov.u32 s9;
	s23 =	sshra.s32 s9, $0x1F;
	s24 =	smov.u32 s10  }
0x10: {  	v5 =	vld [tilespmem:s17+$0xFFFFFFD0];
	[tilespmem:s18+$0x2040 ss:$0x81] =	vst.msk $0xffff, v4;
	s25 =	sshra.s32 s10, $0x1F;
	s26 =	sand.u32 $0x78, s10;
	s19 =	sadd.s32 s20, s19  }
0x11: {  	v58 =	vld [tilespmem:s17+$0xFFFFFFE0];
	[tilespmem:s18+$0x2850 ss:$0x81] =	vst.msk $0xffff, v3;
	s22 =	sshrl.u32 s28, $0xC;
	s21 =	simm.s32 @!p1 $0x31;
	s23 =	sand.u32 s23, s9  }
0x12: {  	v59 =	vld [tilespmem:s17+$0xFFFFFFF0];
	[tilespmem:s18+$0x3060 ss:$0x81] =	vst.msk $0xffff, v2;
	p1 =	sgt.s32 s10, $0xF80;
	s29 =	sand.u32 s25, s10;
	s20 =	sand.u32 $0xC00, s28  }
0x13: {  	v60 =	vld [tilespmem:s17+$0x0];
	[tilespmem:s18+$0x0 ss:$0x81] =	vst.msk $0xffff, v0;
	s28 =	smul.u32 $0xC000, s9;
	s21 =	ssub.s32 s21, s23;
	s24 =	simm.s32 @!p1 $0xF80  }
0x14: {  	v61 =	vld [tilespmem:s17+$0x10];
	s30 =	smulhi.u32 $0x2AAAAAB, s22;
	[tilespmem:s19+$0x3870 ss:$0x81] =	vst.msk $0xffff, v1;
	s20 =	sor.u32 s26, s20;
	s31 =	ssub.s32 $0x32, s21  }
0x15: {  	v62 =	vld [tilespmem:s17+$0x20];
	s23 =	ssub.s32 s24, s29;
	s21 =	sadd.s32 $0xFFFFFFCF, s21;
	s25 =	smul.u32 $0x60, s31;
	[tilespmem:s19+$0x810 ss:$0x81] =	vst.msk $0xffff, v5  }
0x16: {  	v63 =	vld [tilespmem:s17+$0xFFFFFFC0];
	s18 =	smul.u32 $0x60, s30;
	p1 =	sgt.s32 s21, $0x0;
	s27 =	sadd.s32 $0xFFFFF080, s23;
	[tilespmem:s19+$0x1020 ss:$0x81] =	vst.msk $0xffff, v58  }
0x17: {  	s17 =	ssub.s32 $0x1000, s23;
	[tilespmem:s19+$0x1830 ss:$0x81] =	vst.msk $0xffff, v59;
	s25 =	simm.s32 @p1 $0x0;
	p1 =	sgt.s32 s27, $0x7F  }
0x18: {  	s29 =	sand.u32 $0x7, s10;
	[tilespmem:s19+$0x2040 ss:$0x81] =	vst.msk $0xffff, v60;
	s18 =	ssub.s32 s22, s18;
	s17 =	simm.s32 @p1 $0x0  }
0x19: {  	s21 =	sadd.s32 s3, s28;
	[tilespmem:s19+$0x2850 ss:$0x81] =	vst.msk $0xffff, v61;
	s18 =	sshll.u32 s18, $0x9;
	s17 =	smul.u32 s17, s25  }
0x1a: {  	s20 =	sshrl.u32 s20, $0x3;
	s30 =	sshll.u32 s29, $0x12;
	[tilespmem:s19+$0x3060 ss:$0x81] =	vst.msk $0xffff, v62;
	s18 =	sadd.s32 s18, s21  }
0x1b: {  	[tilespmem:s19+$0x0 ss:$0x81] =	vst.msk $0xffff, v63;
	s31 =	sor.u32 $0x400, s30;
	s18 =	sadd.s32 s20, s18;
	s17 =	sand.u32 $0x3FFFFFE0, s17  }
0x1c: {  	[hbm4b:s18+s31] =	stream.strided.scatter [tilespmem:s16], [sflag:$0x2], s17, s8, s31, $0x20;
	[tilespmem:$0x10100] =	vst v63  }
.LBB1_5:
0x1d: {  	p1 =	slt.u32 s13, $0x2  }
0x1e: {  	s17 =	smov.u32 s15;
	p2 =	sgt.s32 @!p1 s15, $0x31;
	s16 =	sshra.s32 @!p1 s15, $0x1F  }
0x1f: {  	p3 =	sgt.s32 @!p1 s14, $0xF80;
	s18 =	sshra.s32 @!p1 s14, $0x1F;
	p2 =	por !p2, p1  }
0x20: {  	s15 =	sand.u32 @!p1 s16, s15;
	p3 =	por !p3, p1;
	s16 =	smov.u32 s14  }
0x21: {  	s14 =	sand.u32 @!p1 s18, s14;
	s17 =	simm.s32 @p2 $0x31;
	s16 =	simm.s32 @p3 $0xF80  }
0x22: {  	s18 =	smov.u32 s12;
	s15 =	ssub.s32 @!p1 s17, s15;
	s14 =	ssub.s32 @!p1 s16, s14  }
0x23: {  	s16 =	sadd.s32 @!p1 $0xFFFFFFCF, s15;
	s15 =	ssub.s32 @!p1 $0x32, s15;
	s17 =	sadd.s32 @!p1 $0xFFFFF080, s14  }
0x24: {  	p2 =	sgt.s32 @!p1 s16, $0x0;
	s15 =	smul.u32 @!p1 $0x60, s15;
	p3 =	sgt.s32 @!p1 s17, $0x7F  }
0x25: {  	s14 =	ssub.s32 @!p1 $0x1000, s14;
	p2 =	por !p2, p1;
	p3 =	por !p3, p1  }
0x26: {  	s16 =	sadd.s32 $0x1, s11;
	s15 =	simm.s32 @!p2 $0x0;
	s14 =	simm.s32 @!p3 $0x0  }
0x27: {  	p2 =	sgt.s32 s16, $0x31;
	s14 =	smul.u32 @!p1 s14, s15;
	s15 =	sadd.s32 $0x1000, s12  }
0x28: {  	s18 =	smov.u32 @p2 s15  }
0x29: {  	s16 =	simm.s32 @p2 $0x0;
	p2 =	sgt.s32 s18, $0xFFF  }
0x2a: {  	s18 =	smov.u32 @p2 s2;
	p2 =	sne.s32 s13, s7  }
.Ltmp1:
0x2b: {  	p0 =	por !p0, !p0;
	s17 =	simm.s32 @!p1 $0x2;
	(pc) =	sbr.rel @!p2 .LBB1_6-.Ltmp1, $4  }
0x2c: {  	s15 =	smov.u32 s9;
	s9 =	smov.u32 s11;
	s14 =	sand.u32 @!p1 $0x3FFFFFE0, s14  }
0x2d: {  	s11 =	smov.u32 s16;
	_ =	swait.ge @!p1 [sflag:s17], s14;
	s19 =	ssub.s32 @!p1 $0x0, s14  }
0x2e: {  	s14 =	smov.u32 s10;
	s13 =	sadd.s32 $0x1, s13;
	[sflag:s17] =	ssyncset.done @!p1 $0x0  }
0x2f: {  	s10 =	smov.u32 s12;
	s12 =	smov.u32 s18;
	[sflag:s17] =	ssyncadd.s32 @!p1 s19  }
.LBB1_1:
0x30: {  	p1 =	sge.u32 s13, s5  }
0x31: {  	s16 =	sand.u32 @!p1 $0x1FFFFFF, s11  }
0x32: {  	s17 =	smulhi.u32 @!p1 $0x4924925, s16;
	_ =	sdelay $0x1  }
0x33: {  	s17 =	smul.u32 @!p1 $0x38, s17  }
0x34: {  	s18 =	sxor.u32 @!p1 $0xFFFFFFFF, s13;
	s19 =	smul.u32 @!p1 $0x380, s12  }
0x35: {  	s31 =	sadd.s32 $0xFFFFFFFF, s13;
	s18 =	sshll.u32 @!p1 s18, $0xE;
	s16 =	ssub.s32 @!p1 s16, s17  }
0x36: {  	s17 =	sand.u32 @!p1 $0x4000, s18;
	s18 =	sadd.s32 @!p1 s6, s19;
	s16 =	sshll.u32 @!p1 s16, $0x4  }
0x37: {  	s19 =	simm.s32 @!p1 $0x1C00;
	s16 =	sadd.s32 @!p1 s16, s18;
	s18 =	simm.s32 @!p1 $0x80  }
0x38: {  	[tilespmem:s17], [sflag:$0x1] =	stream.strided.gather @!p1 [hbm4b:s16+s18], $0x4000, s19, s18, $0x38;
	[tilespmem:$0x10100] =	vst v63  }
0x39: {  	p1 =	sge.u32 s31, s5  }
.Ltmp2:
0x3a: {  	_ = 	snop;
	(pc) =	sbr.rel @p1 .LBB1_5-.Ltmp2, $1  }
0x3b: {  	_ =	sdelay $0x3  }
0x3c: {  	s16 =	simm.s32 $0x1  }
0x3d: {  	_ =	swait.ge [sflag:s4], $0x4000;
	s16 =	simm.s32 @!p0 $0x0  }
0x3e: {  	[sflag:s4] =	ssyncset.done $0x0;
	s17 =	sshll.u32 s16, $0xE  }
0x3f: {  	[sflag:s4] =	ssyncadd.s32 $0xFFFFC000;
	s17 =	sor.u32 $0x40, s17  }
0x40: {  	s16 =	smul.u32 $0x10200, s16;
	v0 =	vld [tilespmem:s17+$0x30]  }
0x41: {  	v1 =	vld [tilespmem:s17+$0xFFFFFFD0]  }
0x42: {  	s16 =	sshrl.u32 s16, $0x2;
	v5 =	vld [tilespmem:s17+$0xFFFFFFE0]  }
0x43: {  	v6 =	vld [tilespmem:s17+$0xFFFFFFF0];
	s19 =	sor.u32 $0x8000, s16  }
0x44: {  	s31 =	sand.u32 $0x1, s13;
	v4 =	vld [tilespmem:s17+$0x0];
	s18 =	sadd.s32 $0x0, s19  }
0x45: {  	v3 =	vld [tilespmem:s17+$0x10];
	s16 =	smul.u32 $0x10200, s31;
	[tilespmem:s18+$0x3870 ss:$0x81] =	vst.msk $0xffff, v0  }
0x46: {  	v2 =	vld [tilespmem:s17+$0x20];
	[tilespmem:s18+$0x810 ss:$0x81] =	vst.msk $0xffff, v1  }
0x47: {  	s16 =	sshrl.u32 s16, $0x2;
	v0 =	vld [tilespmem:s17+$0xFFFFFFC0];
	[tilespmem:s18+$0x1020 ss:$0x81] =	vst.msk $0xffff, v5;
	s17 =	sadd.s32 $0x80, s17  }
0x48: {  	s20 =	simm.s32 $0x4;
	s21 =	simm.s32 $0x8;
	s16 =	sor.u32 $0x8000, s16;
	[tilespmem:s18+$0x1830 ss:$0x81] =	vst.msk $0xffff, v6;
	v1 =	vld [tilespmem:s17+$0x30]  }
.LBB1_3:
0x49: {  	p1 =	sne.s32 s21, $0x1FC;
	v5 =	vld [tilespmem:s17+$0xFFFFFFD0];
	[tilespmem:s18+$0x2040 ss:$0x81] =	vst.msk $0xffff, v4  }
0x4a: {  	v6 =	vld [tilespmem:s17+$0xFFFFFFE0];
	[tilespmem:s18+$0x2850 ss:$0x81] =	vst.msk $0xffff, v3  }
0x4b: {  	s22 =	sshra.s32 s20, $0x2;
	s20 =	smov.u32 s21;
	v7 =	vld [tilespmem:s17+$0xFFFFFFF0];
	[tilespmem:s18+$0x3060 ss:$0x81] =	vst.msk $0xffff, v2  }
.Ltmp3:
0x4c: {  	v4 =	vld [tilespmem:s17+$0x0];
	[tilespmem:s18+$0x0 ss:$0x81] =	vst.msk $0xffff, v0;
	s18 =	sadd.s32 s22, s19;
	(pc) =	sbr.rel @p1 .LBB1_3-.Ltmp3, $4  }
0x4d: {  	v3 =	vld [tilespmem:s17+$0x10];
	[tilespmem:s18+$0x3870 ss:$0x81] =	vst.msk $0xffff, v1  }
0x4e: {  	[tilespmem:s18+$0x810 ss:$0x81] =	vst.msk $0xffff, v5;
	v2 =	vld [tilespmem:s17+$0x20]  }
0x4f: {  	v0 =	vld [tilespmem:s17+$0xFFFFFFC0];
	[tilespmem:s18+$0x1020 ss:$0x81] =	vst.msk $0xffff, v6;
	s17 =	sadd.s32 $0x80, s17  }
0x50: {  	s21 =	sadd.s32 $0x4, s21;
	v1 =	vld [tilespmem:s17+$0x30];
	[tilespmem:s18+$0x1830 ss:$0x81] =	vst.msk $0xffff, v7  }
.Ltmp4:
0x51: {  	_ = 	snop;
	(pc) =	sbr.rel .LBB1_4-.Ltmp4, $1  }
0x52: {  	_ =	sdelay $0x3  }
.LBB1_6:
0x53: {  	_ =	sfence.sel $0x180000  }
0x54: {  	s2 =	simm.s32 $0x1;
	[bflag:$0x0] =	sbarrier.arrive $0xFFFF  }
0x55: {  	s31 =	simm.s32 $0x2;
	[sflag:s2] =	ssyncpa.u1 $0x1  }
0x56: {  	[sflag:s31] =	ssyncpa.u1 $0x1  }
0x57: {  	p0 =	sne.s32 s0, $0x0;
	_ =	strace $0x9000004A  }
0x58: {  	s0 =	sadd.s32 @!p0 $0x100000, s1;
	[bflag:$0x2] =	sbarrier.arrive $0xFFFF  }
0x59: {  	[sflag:s0] =	ssyncadd.tile.s32 @!p0 $0x1;
	_ =	shalt  }
.Lfunc_end1:
_tile_overlayer_lowered:
.L_overlay_start_2:
0x5a: {  	(tag) =	ssettag $0x2  }
0x5b: {  	s0 =	rddreg [dreg:$0x0];
	s2 =	stileid.u32  }
0x5c: {  	s1 =	rddreg [dreg:$0x1];
	p0 =	sne.s32 s2, $0x0  }
0x5d: {  	s3 =	rddreg [dreg:$0x2];
	[bflag:$0x3] =	sbarrier.arrive $0xFFFF;
	s2 =	simm.s32 @!p0 $0x1C01  }
0x5e: {  	[timem:s3], [sflag:s2] =	dma.local @!p0 [hbm:s0], s1  }
0x5f: {  	s0 =	simm.s32 @!p0 $0x1  }
0x60: {  	_ =	swait.ge @!p0 [sflag:s0], s1  }
0x61: {  	s1 =	ssub.s32 @!p0 $0x0, s1;
	[sflag:s0] =	ssyncset.done @!p0 $0x0  }
0x62: {  	[sflag:s0] =	ssyncadd.s32 @!p0 s1  }
0x63: {  	[bflag:$0x3] =	sbarrier.arrive $0xFFFF  }
0x64: {  	_ =	shalt  }

</sc_bundles>
